<compile_context>
chip_gen: v7x
topology: tpu7x:2x2x1
jax: 0.10.2.dev20260603
libtpu: 0.0.44.dev20260713+nightly
codegen_flags: <defaults>
</compile_context>

<pallas_src>
import functools

import jax
import jax.numpy as jnp
from jax import lax
from jax.experimental import pallas as pl
from jax.experimental.pallas import tpu as pltpu
from jax.experimental.pallas import tpu_sc as plsc

_VOCAB1 = 1000001
_VOCAB_PAD = 1000448
_ROWS = _VOCAB_PAD // 128

_N = 16384 * 200
_NW = 32
_PER_W = _N // _NW
_CHUNK = 12800
_NCH = _PER_W // _CHUNK


def _log_body(p_ref, o_ref):
    o_ref[...] = jnp.log(p_ref[...])


def _log_table(table_2d):
    return pl.pallas_call(
        _log_body,
        out_shape=jax.ShapeDtypeStruct((_ROWS, 128), jnp.float32),
    )(table_2d)


_MESH = plsc.VectorSubcoreMesh(core_axis_name="c", subcore_axis_name="s")


@functools.partial(
    pl.kernel,
    out_type=jax.ShapeDtypeStruct((_N,), jnp.float32),
    mesh=_MESH,
    scratch_types=[
        pltpu.VMEM((_CHUNK,), jnp.int32),
        pltpu.VMEM((_CHUNK,), jnp.int32),
        pltpu.VMEM((_CHUNK,), jnp.float32),
        pltpu.VMEM((_CHUNK,), jnp.float32),
        pltpu.VMEM_SHARED((_VOCAB_PAD,), jnp.float32),
        pltpu.SemaphoreType.DMA,
        pltpu.SemaphoreType.DMA,
    ],
)
def _sc_gather(table_hbm, idx_hbm, out_hbm, idx0, idx1, val0, val1,
               tab_sp, sem0, sem1):
    sid = lax.axis_index("s")
    wid = sid * 2 + lax.axis_index("c")
    base = wid * _PER_W

    @pl.when(sid == 0)
    def _():
        pltpu.sync_copy(table_hbm, tab_sp)

    plsc.subcore_barrier()

    bufs = ((idx0, val0, sem0), (idx1, val1, sem1))

    def load_and_fire(i):
        ib, vb, sm = bufs[i % 2]
        pltpu.sync_copy(idx_hbm.at[pl.ds(base + i * _CHUNK, _CHUNK)], ib)
        return pltpu.async_copy(tab_sp.at[ib], vb, sm)

    descs = [None, None]
    descs[0] = load_and_fire(0)
    for i in range(_NCH):
        if i + 1 < _NCH:
            descs[(i + 1) % 2] = load_and_fire(i + 1)
        _, vb, _ = bufs[i % 2]
        descs[i % 2].wait()
        pltpu.sync_copy(vb, out_hbm.at[pl.ds(base + i * _CHUNK, _CHUNK)])


def kernel(pop_prob, items):
    table = jnp.pad(pop_prob, (0, _VOCAB_PAD - _VOCAB1), constant_values=1.0)
    logt = _log_table(table.reshape(_ROWS, 128)).reshape(-1)
    idx = items.reshape(-1).astype(jnp.int32)
    out = _sc_gather(logt, idx)
    return out.reshape(items.shape)

# --- scband reference (transcript-rebuilt; emitter-appended) ---
"""Pipeline reference for scband-pop-debias-25082609008871 (READ-ONLY COPY).

The authoritative reference and input builder live on the scoring server;
editing this copy changes nothing except your own understanding.
"""

import jax, jax.numpy as jnp
import numpy as np

VOCAB = 1000000
BATCH = 16384
HIST = 200

def setup_inputs(seed: int = 0) -> dict:
    key = jax.random.key(seed)
    k_pop, k_items = jax.random.split(key)
    # pop_count: nonnegative popularity counts, shape [VOCAB]
    pop_count = jax.random.uniform(k_pop, (VOCAB,), dtype=jnp.float32)
    # mode == 1: identity transform
    # prepend a zero row (index 0 is padding item)
    pop_count_full = jnp.concatenate([jnp.zeros((1,), dtype=jnp.float32), pop_count])
    pop_prob = pop_count_full / pop_count_full.sum()
    pop_prob = pop_prob.at[0].set(1.0)
    items = jax.random.randint(k_items, (BATCH, HIST), 0, VOCAB + 1, dtype=jnp.int64)
    return {"pop_prob": pop_prob, "items": items}

def reference(pop_prob, items):
    # Pop_Debias.forward: log of the popularity probability gathered at item ids
    return jnp.log(pop_prob[items])

if __name__ == "__main__":
    import jax
    _d = setup_inputs()
    print(jax.jit(kernel)(*tuple(_d.values())))

</pallas_src>

<mosaic_0001>
#map = affine_map<(d0, d1) -> (0)>
module attributes {stable_mosaic.version = 14 : i64} {
  func.func @_sc_gather(%arg0: i32, %arg1: i32, %arg2: memref<1000448xf32, #tpu.memory_space<hbm>>, %arg3: memref<3276800xi32, #tpu.memory_space<hbm>>, %arg4: memref<3276800xf32, #tpu.memory_space<hbm>>, %arg5: memref<12800xi32, #tpu.memory_space<vmem>>, %arg6: memref<12800xi32, #tpu.memory_space<vmem>>, %arg7: memref<12800xf32, #tpu.memory_space<vmem>>, %arg8: memref<12800xf32, #tpu.memory_space<vmem>>, %arg9: memref<1000448xf32, #tpu.memory_space<vmem_shared>>, %arg10: memref<!tpu.dma_semaphore, #tpu.memory_space<semaphore_mem>>, %arg11: memref<!tpu.dma_semaphore, #tpu.memory_space<semaphore_mem>>) attributes {dimension_semantics = [#tpu.dimension_semantics<core_parallel>, #tpu.dimension_semantics<subcore_parallel>], iteration_bounds = array<i64: 2, 16>, scalar_prefetch = 0 : i64, scratch_operands = 7 : i64, tpu.core_type = #tpu.core_type<sc_vector_subcore>, window_params = [{transform_indices = #map}, {transform_indices = #map}, {transform_indices = #map}]} {
    %mul3A = arith.constant 2 : i32
    %mul3A_0 = arith.muli %arg1, %mul3A : i32
    %add3A = arith.addi %mul3A_0, %arg0 : i32
    %mul3A_1 = arith.constant 102400 : i32
    %mul3A_2 = arith.muli %add3A, %mul3A_1 : i32
    %eq3A = arith.constant 0 : i32
    %eq3A_3 = arith.cmpi eq, %arg1, %eq3A : i32
    %convert_element_type3A = arith.extui %eq3A_3 : i1 to i32
    %cond3A = arith.constant 0 : i32
    %cond3A_4 = arith.cmpi ne, %convert_element_type3A, %cond3A : i32
    scf.if %cond3A_4 {
      "tpu.region"() ({
        %run_scoped3A = tpu.sem_alloc : memref<!tpu.dma_semaphore, #tpu.memory_space<semaphore_mem>>
        tpu.enqueue_dma source(%arg2 : memref<1000448xf32, #tpu.memory_space<hbm>>) target(%arg9 : memref<1000448xf32, #tpu.memory_space<vmem_shared>>) target_semaphore(%run_scoped3A : memref<!tpu.dma_semaphore, #tpu.memory_space<semaphore_mem>>)
        tpu.wait_dma2 semaphore(%run_scoped3A : memref<!tpu.dma_semaphore, #tpu.memory_space<semaphore_mem>>) src(%arg2 : memref<1000448xf32, #tpu.memory_space<hbm>>) dst(%arg9 : memref<1000448xf32, #tpu.memory_space<vmem_shared>>)
        tpu.yield
      }) : () -> ()
    } else {
    }
    %barrier3A = arith.constant 0 : index
    tpu.barrier barrier_id(%barrier3A)
    %add3A_5 = arith.constant 0 : i32
    %add3A_6 = arith.addi %mul3A_2, %add3A_5 : i32
    "tpu.region"() ({
      %run_scoped3A = tpu.sem_alloc : memref<!tpu.dma_semaphore, #tpu.memory_space<semaphore_mem>>
      %dma_start3A_67 = tpu.memref_slice %arg3[%add3A_6] : memref<3276800xi32, #tpu.memory_space<hbm>> -> memref<12800xi32, #tpu.memory_space<hbm>>
      %dma_start3A_68 = tpu.memref_slice %arg3[%add3A_6] : memref<3276800xi32, #tpu.memory_space<hbm>> -> memref<12800xi32, #tpu.memory_space<hbm>>
      tpu.enqueue_dma source(%dma_start3A_68 : memref<12800xi32, #tpu.memory_space<hbm>>) target(%arg5 : memref<12800xi32, #tpu.memory_space<vmem>>) target_semaphore(%run_scoped3A : memref<!tpu.dma_semaphore, #tpu.memory_space<semaphore_mem>>)
      %dma_wait3A_69 = tpu.memref_slice %arg3[%add3A_6] : memref<3276800xi32, #tpu.memory_space<hbm>> -> memref<12800xi32, #tpu.memory_space<hbm>>
      %dma_wait3A_70 = tpu.memref_slice %arg3[%add3A_6] : memref<3276800xi32, #tpu.memory_space<hbm>> -> memref<12800xi32, #tpu.memory_space<hbm>>
      tpu.wait_dma2 semaphore(%run_scoped3A : memref<!tpu.dma_semaphore, #tpu.memory_space<semaphore_mem>>) src(%dma_wait3A_70 : memref<12800xi32, #tpu.memory_space<hbm>>) dst(%arg5 : memref<12800xi32, #tpu.memory_space<vmem>>)
      tpu.yield
    }) : () -> ()
    %dma_start3A = arith.constant 0 : i32
    %dma_start3A_7 = tpu.memref_slice %arg9[%dma_start3A] : memref<1000448xf32, #tpu.memory_space<vmem_shared>> -> memref<1000448xf32, #tpu.memory_space<vmem_shared>>
    tpu.enqueue_indirect_dma source(%dma_start3A_7 : memref<1000448xf32, #tpu.memory_space<vmem_shared>>) target(%arg7 : memref<12800xf32, #tpu.memory_space<vmem>>) offsets(%arg5 : memref<12800xi32, #tpu.memory_space<vmem>>) semaphore(%arg10 : memref<!tpu.dma_semaphore, #tpu.memory_space<semaphore_mem>>)
    %add3A_8 = arith.constant 12800 : i32
    %add3A_9 = arith.addi %mul3A_2, %add3A_8 : i32
    "tpu.region"() ({
      %run_scoped3A = tpu.sem_alloc : memref<!tpu.dma_semaphore, #tpu.memory_space<semaphore_mem>>
      %dma_start3A_67 = tpu.memref_slice %arg3[%add3A_9] : memref<3276800xi32, #tpu.memory_space<hbm>> -> memref<12800xi32, #tpu.memory_space<hbm>>
      %dma_start3A_68 = tpu.memref_slice %arg3[%add3A_9] : memref<3276800xi32, #tpu.memory_space<hbm>> -> memref<12800xi32, #tpu.memory_space<hbm>>
      tpu.enqueue_dma source(%dma_start3A_68 : memref<12800xi32, #tpu.memory_space<hbm>>) target(%arg6 : memref<12800xi32, #tpu.memory_space<vmem>>) target_semaphore(%run_scoped3A : memref<!tpu.dma_semaphore, #tpu.memory_space<semaphore_mem>>)
      %dma_wait3A_69 = tpu.memref_slice %arg3[%add3A_9] : memref<3276800xi32, #tpu.memory_space<hbm>> -> memref<12800xi32, #tpu.memory_space<hbm>>
      %dma_wait3A_70 = tpu.memref_slice %arg3[%add3A_9] : memref<3276800xi32, #tpu.memory_space<hbm>> -> memref<12800xi32, #tpu.memory_space<hbm>>
      tpu.wait_dma2 semaphore(%run_scoped3A : memref<!tpu.dma_semaphore, #tpu.memory_space<semaphore_mem>>) src(%dma_wait3A_70 : memref<12800xi32, #tpu.memory_space<hbm>>) dst(%arg6 : memref<12800xi32, #tpu.memory_space<vmem>>)
      tpu.yield
    }) : () -> ()
    %dma_start3A_10 = arith.constant 0 : i32
    %dma_start3A_11 = tpu.memref_slice %arg9[%dma_start3A_10] : memref<1000448xf32, #tpu.memory_space<vmem_shared>> -> memref<1000448xf32, #tpu.memory_space<vmem_shared>>
    tpu.enqueue_indirect_dma source(%dma_start3A_11 : memref<1000448xf32, #tpu.memory_space<vmem_shared>>) target(%arg8 : memref<12800xf32, #tpu.memory_space<vmem>>) offsets(%arg6 : memref<12800xi32, #tpu.memory_space<vmem>>) semaphore(%arg11 : memref<!tpu.dma_semaphore, #tpu.memory_space<semaphore_mem>>)
    %dma_wait3A = arith.constant 0 : i32
    %dma_wait3A_12 = tpu.memref_slice %arg9[%dma_wait3A] : memref<1000448xf32, #tpu.memory_space<vmem_shared>> -> memref<1000448xf32, #tpu.memory_space<vmem_shared>>
    tpu.wait_indirect_dma semaphore(%arg10 : memref<!tpu.dma_semaphore, #tpu.memory_space<semaphore_mem>>) src(%dma_wait3A_12 : memref<1000448xf32, #tpu.memory_space<vmem_shared>>) dst(%arg7 : memref<12800xf32, #tpu.memory_space<vmem>>)
    %add3A_13 = arith.constant 0 : i32
    %add3A_14 = arith.addi %mul3A_2, %add3A_13 : i32
    "tpu.region"() ({
      %run_scoped3A = tpu.sem_alloc : memref<!tpu.dma_semaphore, #tpu.memory_space<semaphore_mem>>
      %dma_start3A_67 = tpu.memref_slice %arg4[%add3A_14] : memref<3276800xf32, #tpu.memory_space<hbm>> -> memref<12800xf32, #tpu.memory_space<hbm>>
      %dma_start3A_68 = tpu.memref_slice %arg4[%add3A_14] : memref<3276800xf32, #tpu.memory_space<hbm>> -> memref<12800xf32, #tpu.memory_space<hbm>>
      tpu.enqueue_dma source(%arg7 : memref<12800xf32, #tpu.memory_space<vmem>>) target(%dma_start3A_68 : memref<12800xf32, #tpu.memory_space<hbm>>) target_semaphore(%run_scoped3A : memref<!tpu.dma_semaphore, #tpu.memory_space<semaphore_mem>>)
      %dma_wait3A_69 = tpu.memref_slice %arg4[%add3A_14] : memref<3276800xf32, #tpu.memory_space<hbm>> -> memref<12800xf32, #tpu.memory_space<hbm>>
      %dma_wait3A_70 = tpu.memref_slice %arg4[%add3A_14] : memref<3276800xf32, #tpu.memory_space<hbm>> -> memref<12800xf32, #tpu.memory_space<hbm>>
      tpu.wait_dma2 semaphore(%run_scoped3A : memref<!tpu.dma_semaphore, #tpu.memory_space<semaphore_mem>>) src(%arg7 : memref<12800xf32, #tpu.memory_space<vmem>>) dst(%dma_wait3A_70 : memref<12800xf32, #tpu.memory_space<hbm>>)
      tpu.yield
    }) : () -> ()
    %add3A_15 = arith.constant 25600 : i32
    %add3A_16 = arith.addi %mul3A_2, %add3A_15 : i32
    "tpu.region"() ({
      %run_scoped3A = tpu.sem_alloc : memref<!tpu.dma_semaphore, #tpu.memory_space<semaphore_mem>>
      %dma_start3A_67 = tpu.memref_slice %arg3[%add3A_16] : memref<3276800xi32, #tpu.memory_space<hbm>> -> memref<12800xi32, #tpu.memory_space<hbm>>
      %dma_start3A_68 = tpu.memref_slice %arg3[%add3A_16] : memref<3276800xi32, #tpu.memory_space<hbm>> -> memref<12800xi32, #tpu.memory_space<hbm>>
      tpu.enqueue_dma source(%dma_start3A_68 : memref<12800xi32, #tpu.memory_space<hbm>>) target(%arg5 : memref<12800xi32, #tpu.memory_space<vmem>>) target_semaphore(%run_scoped3A : memref<!tpu.dma_semaphore, #tpu.memory_space<semaphore_mem>>)
      %dma_wait3A_69 = tpu.memref_slice %arg3[%add3A_16] : memref<3276800xi32, #tpu.memory_space<hbm>> -> memref<12800xi32, #tpu.memory_space<hbm>>
      %dma_wait3A_70 = tpu.memref_slice %arg3[%add3A_16] : memref<3276800xi32, #tpu.memory_space<hbm>> -> memref<12800xi32, #tpu.memory_space<hbm>>
      tpu.wait_dma2 semaphore(%run_scoped3A : memref<!tpu.dma_semaphore, #tpu.memory_space<semaphore_mem>>) src(%dma_wait3A_70 : memref<12800xi32, #tpu.memory_space<hbm>>) dst(%arg5 : memref<12800xi32, #tpu.memory_space<vmem>>)
      tpu.yield
    }) : () -> ()
    %dma_start3A_17 = arith.constant 0 : i32
    %dma_start3A_18 = tpu.memref_slice %arg9[%dma_start3A_17] : memref<1000448xf32, #tpu.memory_space<vmem_shared>> -> memref<1000448xf32, #tpu.memory_space<vmem_shared>>
    tpu.enqueue_indirect_dma source(%dma_start3A_18 : memref<1000448xf32, #tpu.memory_space<vmem_shared>>) target(%arg7 : memref<12800xf32, #tpu.memory_space<vmem>>) offsets(%arg5 : memref<12800xi32, #tpu.memory_space<vmem>>) semaphore(%arg10 : memref<!tpu.dma_semaphore, #tpu.memory_space<semaphore_mem>>)
    %dma_wait3A_19 = arith.constant 0 : i32
    %dma_wait3A_20 = tpu.memref_slice %arg9[%dma_wait3A_19] : memref<1000448xf32, #tpu.memory_space<vmem_shared>> -> memref<1000448xf32, #tpu.memory_space<vmem_shared>>
    tpu.wait_indirect_dma semaphore(%arg11 : memref<!tpu.dma_semaphore, #tpu.memory_space<semaphore_mem>>) src(%dma_wait3A_20 : memref<1000448xf32, #tpu.memory_space<vmem_shared>>) dst(%arg8 : memref<12800xf32, #tpu.memory_space<vmem>>)
    %add3A_21 = arith.constant 12800 : i32
    %add3A_22 = arith.addi %mul3A_2, %add3A_21 : i32
    "tpu.region"() ({
      %run_scoped3A = tpu.sem_alloc : memref<!tpu.dma_semaphore, #tpu.memory_space<semaphore_mem>>
      %dma_start3A_67 = tpu.memref_slice %arg4[%add3A_22] : memref<3276800xf32, #tpu.memory_space<hbm>> -> memref<12800xf32, #tpu.memory_space<hbm>>
      %dma_start3A_68 = tpu.memref_slice %arg4[%add3A_22] : memref<3276800xf32, #tpu.memory_space<hbm>> -> memref<12800xf32, #tpu.memory_space<hbm>>
      tpu.enqueue_dma source(%arg8 : memref<12800xf32, #tpu.memory_space<vmem>>) target(%dma_start3A_68 : memref<12800xf32, #tpu.memory_space<hbm>>) target_semaphore(%run_scoped3A : memref<!tpu.dma_semaphore, #tpu.memory_space<semaphore_mem>>)
      %dma_wait3A_69 = tpu.memref_slice %arg4[%add3A_22] : memref<3276800xf32, #tpu.memory_space<hbm>> -> memref<12800xf32, #tpu.memory_space<hbm>>
      %dma_wait3A_70 = tpu.memref_slice %arg4[%add3A_22] : memref<3276800xf32, #tpu.memory_space<hbm>> -> memref<12800xf32, #tpu.memory_space<hbm>>
      tpu.wait_dma2 semaphore(%run_scoped3A : memref<!tpu.dma_semaphore, #tpu.memory_space<semaphore_mem>>) src(%arg8 : memref<12800xf32, #tpu.memory_space<vmem>>) dst(%dma_wait3A_70 : memref<12800xf32, #tpu.memory_space<hbm>>)
      tpu.yield
    }) : () -> ()
    %add3A_23 = arith.constant 38400 : i32
    %add3A_24 = arith.addi %mul3A_2, %add3A_23 : i32
    "tpu.region"() ({
      %run_scoped3A = tpu.sem_alloc : memref<!tpu.dma_semaphore, #tpu.memory_space<semaphore_mem>>
      %dma_start3A_67 = tpu.memref_slice %arg3[%add3A_24] : memref<3276800xi32, #tpu.memory_space<hbm>> -> memref<12800xi32, #tpu.memory_space<hbm>>
      %dma_start3A_68 = tpu.memref_slice %arg3[%add3A_24] : memref<3276800xi32, #tpu.memory_space<hbm>> -> memref<12800xi32, #tpu.memory_space<hbm>>
      tpu.enqueue_dma source(%dma_start3A_68 : memref<12800xi32, #tpu.memory_space<hbm>>) target(%arg6 : memref<12800xi32, #tpu.memory_space<vmem>>) target_semaphore(%run_scoped3A : memref<!tpu.dma_semaphore, #tpu.memory_space<semaphore_mem>>)
      %dma_wait3A_69 = tpu.memref_slice %arg3[%add3A_24] : memref<3276800xi32, #tpu.memory_space<hbm>> -> memref<12800xi32, #tpu.memory_space<hbm>>
      %dma_wait3A_70 = tpu.memref_slice %arg3[%add3A_24] : memref<3276800xi32, #tpu.memory_space<hbm>> -> memref<12800xi32, #tpu.memory_space<hbm>>
      tpu.wait_dma2 semaphore(%run_scoped3A : memref<!tpu.dma_semaphore, #tpu.memory_space<semaphore_mem>>) src(%dma_wait3A_70 : memref<12800xi32, #tpu.memory_space<hbm>>) dst(%arg6 : memref<12800xi32, #tpu.memory_space<vmem>>)
      tpu.yield
    }) : () -> ()
    %dma_start3A_25 = arith.constant 0 : i32
    %dma_start3A_26 = tpu.memref_slice %arg9[%dma_start3A_25] : memref<1000448xf32, #tpu.memory_space<vmem_shared>> -> memref<1000448xf32, #tpu.memory_space<vmem_shared>>
    tpu.enqueue_indirect_dma source(%dma_start3A_26 : memref<1000448xf32, #tpu.memory_space<vmem_shared>>) target(%arg8 : memref<12800xf32, #tpu.memory_space<vmem>>) offsets(%arg6 : memref<12800xi32, #tpu.memory_space<vmem>>) semaphore(%arg11 : memref<!tpu.dma_semaphore, #tpu.memory_space<semaphore_mem>>)
    %dma_wait3A_27 = arith.constant 0 : i32
    %dma_wait3A_28 = tpu.memref_slice %arg9[%dma_wait3A_27] : memref<1000448xf32, #tpu.memory_space<vmem_shared>> -> memref<1000448xf32, #tpu.memory_space<vmem_shared>>
    tpu.wait_indirect_dma semaphore(%arg10 : memref<!tpu.dma_semaphore, #tpu.memory_space<semaphore_mem>>) src(%dma_wait3A_28 : memref<1000448xf32, #tpu.memory_space<vmem_shared>>) dst(%arg7 : memref<12800xf32, #tpu.memory_space<vmem>>)
    %add3A_29 = arith.constant 25600 : i32
    %add3A_30 = arith.addi %mul3A_2, %add3A_29 : i32
    "tpu.region"() ({
      %run_scoped3A = tpu.sem_alloc : memref<!tpu.dma_semaphore, #tpu.memory_space<semaphore_mem>>
      %dma_start3A_67 = tpu.memref_slice %arg4[%add3A_30] : memref<3276800xf32, #tpu.memory_space<hbm>> -> memref<12800xf32, #tpu.memory_space<hbm>>
      %dma_start3A_68 = tpu.memref_slice %arg4[%add3A_30] : memref<3276800xf32, #tpu.memory_space<hbm>> -> memref<12800xf32, #tpu.memory_space<hbm>>
      tpu.enqueue_dma source(%arg7 : memref<12800xf32, #tpu.memory_space<vmem>>) target(%dma_start3A_68 : memref<12800xf32, #tpu.memory_space<hbm>>) target_semaphore(%run_scoped3A : memref<!tpu.dma_semaphore, #tpu.memory_space<semaphore_mem>>)
      %dma_wait3A_69 = tpu.memref_slice %arg4[%add3A_30] : memref<3276800xf32, #tpu.memory_space<hbm>> -> memref<12800xf32, #tpu.memory_space<hbm>>
      %dma_wait3A_70 = tpu.memref_slice %arg4[%add3A_30] : memref<3276800xf32, #tpu.memory_space<hbm>> -> memref<12800xf32, #tpu.memory_space<hbm>>
      tpu.wait_dma2 semaphore(%run_scoped3A : memref<!tpu.dma_semaphore, #tpu.memory_space<semaphore_mem>>) src(%arg7 : memref<12800xf32, #tpu.memory_space<vmem>>) dst(%dma_wait3A_70 : memref<12800xf32, #tpu.memory_space<hbm>>)
      tpu.yield
    }) : () -> ()
    %add3A_31 = arith.constant 51200 : i32
    %add3A_32 = arith.addi %mul3A_2, %add3A_31 : i32
    "tpu.region"() ({
      %run_scoped3A = tpu.sem_alloc : memref<!tpu.dma_semaphore, #tpu.memory_space<semaphore_mem>>
      %dma_start3A_67 = tpu.memref_slice %arg3[%add3A_32] : memref<3276800xi32, #tpu.memory_space<hbm>> -> memref<12800xi32, #tpu.memory_space<hbm>>
      %dma_start3A_68 = tpu.memref_slice %arg3[%add3A_32] : memref<3276800xi32, #tpu.memory_space<hbm>> -> memref<12800xi32, #tpu.memory_space<hbm>>
      tpu.enqueue_dma source(%dma_start3A_68 : memref<12800xi32, #tpu.memory_space<hbm>>) target(%arg5 : memref<12800xi32, #tpu.memory_space<vmem>>) target_semaphore(%run_scoped3A : memref<!tpu.dma_semaphore, #tpu.memory_space<semaphore_mem>>)
      %dma_wait3A_69 = tpu.memref_slice %arg3[%add3A_32] : memref<3276800xi32, #tpu.memory_space<hbm>> -> memref<12800xi32, #tpu.memory_space<hbm>>
      %dma_wait3A_70 = tpu.memref_slice %arg3[%add3A_32] : memref<3276800xi32, #tpu.memory_space<hbm>> -> memref<12800xi32, #tpu.memory_space<hbm>>
      tpu.wait_dma2 semaphore(%run_scoped3A : memref<!tpu.dma_semaphore, #tpu.memory_space<semaphore_mem>>) src(%dma_wait3A_70 : memref<12800xi32, #tpu.memory_space<hbm>>) dst(%arg5 : memref<12800xi32, #tpu.memory_space<vmem>>)
      tpu.yield
    }) : () -> ()
    %dma_start3A_33 = arith.constant 0 : i32
    %dma_start3A_34 = tpu.memref_slice %arg9[%dma_start3A_33] : memref<1000448xf32, #tpu.memory_space<vmem_shared>> -> memref<1000448xf32, #tpu.memory_space<vmem_shared>>
    tpu.enqueue_indirect_dma source(%dma_start3A_34 : memref<1000448xf32, #tpu.memory_space<vmem_shared>>) target(%arg7 : memref<12800xf32, #tpu.memory_space<vmem>>) offsets(%arg5 : memref<12800xi32, #tpu.memory_space<vmem>>) semaphore(%arg10 : memref<!tpu.dma_semaphore, #tpu.memory_space<semaphore_mem>>)
    %dma_wait3A_35 = arith.constant 0 : i32
    %dma_wait3A_36 = tpu.memref_slice %arg9[%dma_wait3A_35] : memref<1000448xf32, #tpu.memory_space<vmem_shared>> -> memref<1000448xf32, #tpu.memory_space<vmem_shared>>
    tpu.wait_indirect_dma semaphore(%arg11 : memref<!tpu.dma_semaphore, #tpu.memory_space<semaphore_mem>>) src(%dma_wait3A_36 : memref<1000448xf32, #tpu.memory_space<vmem_shared>>) dst(%arg8 : memref<12800xf32, #tpu.memory_space<vmem>>)
    %add3A_37 = arith.constant 38400 : i32
    %add3A_38 = arith.addi %mul3A_2, %add3A_37 : i32
    "tpu.region"() ({
      %run_scoped3A = tpu.sem_alloc : memref<!tpu.dma_semaphore, #tpu.memory_space<semaphore_mem>>
      %dma_start3A_67 = tpu.memref_slice %arg4[%add3A_38] : memref<3276800xf32, #tpu.memory_space<hbm>> -> memref<12800xf32, #tpu.memory_space<hbm>>
      %dma_start3A_68 = tpu.memref_slice %arg4[%add3A_38] : memref<3276800xf32, #tpu.memory_space<hbm>> -> memref<12800xf32, #tpu.memory_space<hbm>>
      tpu.enqueue_dma source(%arg8 : memref<12800xf32, #tpu.memory_space<vmem>>) target(%dma_start3A_68 : memref<12800xf32, #tpu.memory_space<hbm>>) target_semaphore(%run_scoped3A : memref<!tpu.dma_semaphore, #tpu.memory_space<semaphore_mem>>)
      %dma_wait3A_69 = tpu.memref_slice %arg4[%add3A_38] : memref<3276800xf32, #tpu.memory_space<hbm>> -> memref<12800xf32, #tpu.memory_space<hbm>>
      %dma_wait3A_70 = tpu.memref_slice %arg4[%add3A_38] : memref<3276800xf32, #tpu.memory_space<hbm>> -> memref<12800xf32, #tpu.memory_space<hbm>>
      tpu.wait_dma2 semaphore(%run_scoped3A : memref<!tpu.dma_semaphore, #tpu.memory_space<semaphore_mem>>) src(%arg8 : memref<12800xf32, #tpu.memory_space<vmem>>) dst(%dma_wait3A_70 : memref<12800xf32, #tpu.memory_space<hbm>>)
      tpu.yield
    }) : () -> ()
    %add3A_39 = arith.constant 64000 : i32
    %add3A_40 = arith.addi %mul3A_2, %add3A_39 : i32
    "tpu.region"() ({
      %run_scoped3A = tpu.sem_alloc : memref<!tpu.dma_semaphore, #tpu.memory_space<semaphore_mem>>
      %dma_start3A_67 = tpu.memref_slice %arg3[%add3A_40] : memref<3276800xi32, #tpu.memory_space<hbm>> -> memref<12800xi32, #tpu.memory_space<hbm>>
      %dma_start3A_68 = tpu.memref_slice %arg3[%add3A_40] : memref<3276800xi32, #tpu.memory_space<hbm>> -> memref<12800xi32, #tpu.memory_space<hbm>>
      tpu.enqueue_dma source(%dma_start3A_68 : memref<12800xi32, #tpu.memory_space<hbm>>) target(%arg6 : memref<12800xi32, #tpu.memory_space<vmem>>) target_semaphore(%run_scoped3A : memref<!tpu.dma_semaphore, #tpu.memory_space<semaphore_mem>>)
      %dma_wait3A_69 = tpu.memref_slice %arg3[%add3A_40] : memref<3276800xi32, #tpu.memory_space<hbm>> -> memref<12800xi32, #tpu.memory_space<hbm>>
      %dma_wait3A_70 = tpu.memref_slice %arg3[%add3A_40] : memref<3276800xi32, #tpu.memory_space<hbm>> -> memref<12800xi32, #tpu.memory_space<hbm>>
      tpu.wait_dma2 semaphore(%run_scoped3A : memref<!tpu.dma_semaphore, #tpu.memory_space<semaphore_mem>>) src(%dma_wait3A_70 : memref<12800xi32, #tpu.memory_space<hbm>>) dst(%arg6 : memref<12800xi32, #tpu.memory_space<vmem>>)
      tpu.yield
    }) : () -> ()
    %dma_start3A_41 = arith.constant 0 : i32
    %dma_start3A_42 = tpu.memref_slice %arg9[%dma_start3A_41] : memref<1000448xf32, #tpu.memory_space<vmem_shared>> -> memref<1000448xf32, #tpu.memory_space<vmem_shared>>
    tpu.enqueue_indirect_dma source(%dma_start3A_42 : memref<1000448xf32, #tpu.memory_space<vmem_shared>>) target(%arg8 : memref<12800xf32, #tpu.memory_space<vmem>>) offsets(%arg6 : memref<12800xi32, #tpu.memory_space<vmem>>) semaphore(%arg11 : memref<!tpu.dma_semaphore, #tpu.memory_space<semaphore_mem>>)
    %dma_wait3A_43 = arith.constant 0 : i32
    %dma_wait3A_44 = tpu.memref_slice %arg9[%dma_wait3A_43] : memref<1000448xf32, #tpu.memory_space<vmem_shared>> -> memref<1000448xf32, #tpu.memory_space<vmem_shared>>
    tpu.wait_indirect_dma semaphore(%arg10 : memref<!tpu.dma_semaphore, #tpu.memory_space<semaphore_mem>>) src(%dma_wait3A_44 : memref<1000448xf32, #tpu.memory_space<vmem_shared>>) dst(%arg7 : memref<12800xf32, #tpu.memory_space<vmem>>)
    %add3A_45 = arith.constant 51200 : i32
    %add3A_46 = arith.addi %mul3A_2, %add3A_45 : i32
    "tpu.region"() ({
      %run_scoped3A = tpu.sem_alloc : memref<!tpu.dma_semaphore, #tpu.memory_space<semaphore_mem>>
      %dma_start3A_67 = tpu.memref_slice %arg4[%add3A_46] : memref<3276800xf32, #tpu.memory_space<hbm>> -> memref<12800xf32, #tpu.memory_space<hbm>>
      %dma_start3A_68 = tpu.memref_slice %arg4[%add3A_46] : memref<3276800xf32, #tpu.memory_space<hbm>> -> memref<12800xf32, #tpu.memory_space<hbm>>
      tpu.enqueue_dma source(%arg7 : memref<12800xf32, #tpu.memory_space<vmem>>) target(%dma_start3A_68 : memref<12800xf32, #tpu.memory_space<hbm>>) target_semaphore(%run_scoped3A : memref<!tpu.dma_semaphore, #tpu.memory_space<semaphore_mem>>)
      %dma_wait3A_69 = tpu.memref_slice %arg4[%add3A_46] : memref<3276800xf32, #tpu.memory_space<hbm>> -> memref<12800xf32, #tpu.memory_space<hbm>>
      %dma_wait3A_70 = tpu.memref_slice %arg4[%add3A_46] : memref<3276800xf32, #tpu.memory_space<hbm>> -> memref<12800xf32, #tpu.memory_space<hbm>>
      tpu.wait_dma2 semaphore(%run_scoped3A : memref<!tpu.dma_semaphore, #tpu.memory_space<semaphore_mem>>) src(%arg7 : memref<12800xf32, #tpu.memory_space<vmem>>) dst(%dma_wait3A_70 : memref<12800xf32, #tpu.memory_space<hbm>>)
      tpu.yield
    }) : () -> ()
    %add3A_47 = arith.constant 76800 : i32
    %add3A_48 = arith.addi %mul3A_2, %add3A_47 : i32
    "tpu.region"() ({
      %run_scoped3A = tpu.sem_alloc : memref<!tpu.dma_semaphore, #tpu.memory_space<semaphore_mem>>
      %dma_start3A_67 = tpu.memref_slice %arg3[%add3A_48] : memref<3276800xi32, #tpu.memory_space<hbm>> -> memref<12800xi32, #tpu.memory_space<hbm>>
      %dma_start3A_68 = tpu.memref_slice %arg3[%add3A_48] : memref<3276800xi32, #tpu.memory_space<hbm>> -> memref<12800xi32, #tpu.memory_space<hbm>>
      tpu.enqueue_dma source(%dma_start3A_68 : memref<12800xi32, #tpu.memory_space<hbm>>) target(%arg5 : memref<12800xi32, #tpu.memory_space<vmem>>) target_semaphore(%run_scoped3A : memref<!tpu.dma_semaphore, #tpu.memory_space<semaphore_mem>>)
      %dma_wait3A_69 = tpu.memref_slice %arg3[%add3A_48] : memref<3276800xi32, #tpu.memory_space<hbm>> -> memref<12800xi32, #tpu.memory_space<hbm>>
      %dma_wait3A_70 = tpu.memref_slice %arg3[%add3A_48] : memref<3276800xi32, #tpu.memory_space<hbm>> -> memref<12800xi32, #tpu.memory_space<hbm>>
      tpu.wait_dma2 semaphore(%run_scoped3A : memref<!tpu.dma_semaphore, #tpu.memory_space<semaphore_mem>>) src(%dma_wait3A_70 : memref<12800xi32, #tpu.memory_space<hbm>>) dst(%arg5 : memref<12800xi32, #tpu.memory_space<vmem>>)
      tpu.yield
    }) : () -> ()
    %dma_start3A_49 = arith.constant 0 : i32
    %dma_start3A_50 = tpu.memref_slice %arg9[%dma_start3A_49] : memref<1000448xf32, #tpu.memory_space<vmem_shared>> -> memref<1000448xf32, #tpu.memory_space<vmem_shared>>
    tpu.enqueue_indirect_dma source(%dma_start3A_50 : memref<1000448xf32, #tpu.memory_space<vmem_shared>>) target(%arg7 : memref<12800xf32, #tpu.memory_space<vmem>>) offsets(%arg5 : memref<12800xi32, #tpu.memory_space<vmem>>) semaphore(%arg10 : memref<!tpu.dma_semaphore, #tpu.memory_space<semaphore_mem>>)
    %dma_wait3A_51 = arith.constant 0 : i32
    %dma_wait3A_52 = tpu.memref_slice %arg9[%dma_wait3A_51] : memref<1000448xf32, #tpu.memory_space<vmem_shared>> -> memref<1000448xf32, #tpu.memory_space<vmem_shared>>
    tpu.wait_indirect_dma semaphore(%arg11 : memref<!tpu.dma_semaphore, #tpu.memory_space<semaphore_mem>>) src(%dma_wait3A_52 : memref<1000448xf32, #tpu.memory_space<vmem_shared>>) dst(%arg8 : memref<12800xf32, #tpu.memory_space<vmem>>)
    %add3A_53 = arith.constant 64000 : i32
    %add3A_54 = arith.addi %mul3A_2, %add3A_53 : i32
    "tpu.region"() ({
      %run_scoped3A = tpu.sem_alloc : memref<!tpu.dma_semaphore, #tpu.memory_space<semaphore_mem>>
      %dma_start3A_67 = tpu.memref_slice %arg4[%add3A_54] : memref<3276800xf32, #tpu.memory_space<hbm>> -> memref<12800xf32, #tpu.memory_space<hbm>>
      %dma_start3A_68 = tpu.memref_slice %arg4[%add3A_54] : memref<3276800xf32, #tpu.memory_space<hbm>> -> memref<12800xf32, #tpu.memory_space<hbm>>
      tpu.enqueue_dma source(%arg8 : memref<12800xf32, #tpu.memory_space<vmem>>) target(%dma_start3A_68 : memref<12800xf32, #tpu.memory_space<hbm>>) target_semaphore(%run_scoped3A : memref<!tpu.dma_semaphore, #tpu.memory_space<semaphore_mem>>)
      %dma_wait3A_69 = tpu.memref_slice %arg4[%add3A_54] : memref<3276800xf32, #tpu.memory_space<hbm>> -> memref<12800xf32, #tpu.memory_space<hbm>>
      %dma_wait3A_70 = tpu.memref_slice %arg4[%add3A_54] : memref<3276800xf32, #tpu.memory_space<hbm>> -> memref<12800xf32, #tpu.memory_space<hbm>>
      tpu.wait_dma2 semaphore(%run_scoped3A : memref<!tpu.dma_semaphore, #tpu.memory_space<semaphore_mem>>) src(%arg8 : memref<12800xf32, #tpu.memory_space<vmem>>) dst(%dma_wait3A_70 : memref<12800xf32, #tpu.memory_space<hbm>>)
      tpu.yield
    }) : () -> ()
    %add3A_55 = arith.constant 89600 : i32
    %add3A_56 = arith.addi %mul3A_2, %add3A_55 : i32
    "tpu.region"() ({
      %run_scoped3A = tpu.sem_alloc : memref<!tpu.dma_semaphore, #tpu.memory_space<semaphore_mem>>
      %dma_start3A_67 = tpu.memref_slice %arg3[%add3A_56] : memref<3276800xi32, #tpu.memory_space<hbm>> -> memref<12800xi32, #tpu.memory_space<hbm>>
      %dma_start3A_68 = tpu.memref_slice %arg3[%add3A_56] : memref<3276800xi32, #tpu.memory_space<hbm>> -> memref<12800xi32, #tpu.memory_space<hbm>>
      tpu.enqueue_dma source(%dma_start3A_68 : memref<12800xi32, #tpu.memory_space<hbm>>) target(%arg6 : memref<12800xi32, #tpu.memory_space<vmem>>) target_semaphore(%run_scoped3A : memref<!tpu.dma_semaphore, #tpu.memory_space<semaphore_mem>>)
      %dma_wait3A_69 = tpu.memref_slice %arg3[%add3A_56] : memref<3276800xi32, #tpu.memory_space<hbm>> -> memref<12800xi32, #tpu.memory_space<hbm>>
      %dma_wait3A_70 = tpu.memref_slice %arg3[%add3A_56] : memref<3276800xi32, #tpu.memory_space<hbm>> -> memref<12800xi32, #tpu.memory_space<hbm>>
      tpu.wait_dma2 semaphore(%run_scoped3A : memref<!tpu.dma_semaphore, #tpu.memory_space<semaphore_mem>>) src(%dma_wait3A_70 : memref<12800xi32, #tpu.memory_space<hbm>>) dst(%arg6 : memref<12800xi32, #tpu.memory_space<vmem>>)
      tpu.yield
    }) : () -> ()
    %dma_start3A_57 = arith.constant 0 : i32
    %dma_start3A_58 = tpu.memref_slice %arg9[%dma_start3A_57] : memref<1000448xf32, #tpu.memory_space<vmem_shared>> -> memref<1000448xf32, #tpu.memory_space<vmem_shared>>
    tpu.enqueue_indirect_dma source(%dma_start3A_58 : memref<1000448xf32, #tpu.memory_space<vmem_shared>>) target(%arg8 : memref<12800xf32, #tpu.memory_space<vmem>>) offsets(%arg6 : memref<12800xi32, #tpu.memory_space<vmem>>) semaphore(%arg11 : memref<!tpu.dma_semaphore, #tpu.memory_space<semaphore_mem>>)
    %dma_wait3A_59 = arith.constant 0 : i32
    %dma_wait3A_60 = tpu.memref_slice %arg9[%dma_wait3A_59] : memref<1000448xf32, #tpu.memory_space<vmem_shared>> -> memref<1000448xf32, #tpu.memory_space<vmem_shared>>
    tpu.wait_indirect_dma semaphore(%arg10 : memref<!tpu.dma_semaphore, #tpu.memory_space<semaphore_mem>>) src(%dma_wait3A_60 : memref<1000448xf32, #tpu.memory_space<vmem_shared>>) dst(%arg7 : memref<12800xf32, #tpu.memory_space<vmem>>)
    %add3A_61 = arith.constant 76800 : i32
    %add3A_62 = arith.addi %mul3A_2, %add3A_61 : i32
    "tpu.region"() ({
      %run_scoped3A = tpu.sem_alloc : memref<!tpu.dma_semaphore, #tpu.memory_space<semaphore_mem>>
      %dma_start3A_67 = tpu.memref_slice %arg4[%add3A_62] : memref<3276800xf32, #tpu.memory_space<hbm>> -> memref<12800xf32, #tpu.memory_space<hbm>>
      %dma_start3A_68 = tpu.memref_slice %arg4[%add3A_62] : memref<3276800xf32, #tpu.memory_space<hbm>> -> memref<12800xf32, #tpu.memory_space<hbm>>
      tpu.enqueue_dma source(%arg7 : memref<12800xf32, #tpu.memory_space<vmem>>) target(%dma_start3A_68 : memref<12800xf32, #tpu.memory_space<hbm>>) target_semaphore(%run_scoped3A : memref<!tpu.dma_semaphore, #tpu.memory_space<semaphore_mem>>)
      %dma_wait3A_69 = tpu.memref_slice %arg4[%add3A_62] : memref<3276800xf32, #tpu.memory_space<hbm>> -> memref<12800xf32, #tpu.memory_space<hbm>>
      %dma_wait3A_70 = tpu.memref_slice %arg4[%add3A_62] : memref<3276800xf32, #tpu.memory_space<hbm>> -> memref<12800xf32, #tpu.memory_space<hbm>>
      tpu.wait_dma2 semaphore(%run_scoped3A : memref<!tpu.dma_semaphore, #tpu.memory_space<semaphore_mem>>) src(%arg7 : memref<12800xf32, #tpu.memory_space<vmem>>) dst(%dma_wait3A_70 : memref<12800xf32, #tpu.memory_space<hbm>>)
      tpu.yield
    }) : () -> ()
    %dma_wait3A_63 = arith.constant 0 : i32
    %dma_wait3A_64 = tpu.memref_slice %arg9[%dma_wait3A_63] : memref<1000448xf32, #tpu.memory_space<vmem_shared>> -> memref<1000448xf32, #tpu.memory_space<vmem_shared>>
    tpu.wait_indirect_dma semaphore(%arg11 : memref<!tpu.dma_semaphore, #tpu.memory_space<semaphore_mem>>) src(%dma_wait3A_64 : memref<1000448xf32, #tpu.memory_space<vmem_shared>>) dst(%arg8 : memref<12800xf32, #tpu.memory_space<vmem>>)
    %add3A_65 = arith.constant 89600 : i32
    %add3A_66 = arith.addi %mul3A_2, %add3A_65 : i32
    "tpu.region"() ({
      %run_scoped3A = tpu.sem_alloc : memref<!tpu.dma_semaphore, #tpu.memory_space<semaphore_mem>>
      %dma_start3A_67 = tpu.memref_slice %arg4[%add3A_66] : memref<3276800xf32, #tpu.memory_space<hbm>> -> memref<12800xf32, #tpu.memory_space<hbm>>
      %dma_start3A_68 = tpu.memref_slice %arg4[%add3A_66] : memref<3276800xf32, #tpu.memory_space<hbm>> -> memref<12800xf32, #tpu.memory_space<hbm>>
      tpu.enqueue_dma source(%arg8 : memref<12800xf32, #tpu.memory_space<vmem>>) target(%dma_start3A_68 : memref<12800xf32, #tpu.memory_space<hbm>>) target_semaphore(%run_scoped3A : memref<!tpu.dma_semaphore, #tpu.memory_space<semaphore_mem>>)
      %dma_wait3A_69 = tpu.memref_slice %arg4[%add3A_66] : memref<3276800xf32, #tpu.memory_space<hbm>> -> memref<12800xf32, #tpu.memory_space<hbm>>
      %dma_wait3A_70 = tpu.memref_slice %arg4[%add3A_66] : memref<3276800xf32, #tpu.memory_space<hbm>> -> memref<12800xf32, #tpu.memory_space<hbm>>
      tpu.wait_dma2 semaphore(%run_scoped3A : memref<!tpu.dma_semaphore, #tpu.memory_space<semaphore_mem>>) src(%arg8 : memref<12800xf32, #tpu.memory_space<vmem>>) dst(%dma_wait3A_70 : memref<12800xf32, #tpu.memory_space<hbm>>)
      tpu.yield
    }) : () -> ()
    return
  }
}

module attributes {stable_mosaic.version = 14 : i64} {
  func.func @_log_body(%arg0: memref<7816x128xf32, #tpu.memory_space<vmem>>, %arg1: memref<7816x128xf32, #tpu.memory_space<vmem>>) attributes {dimension_semantics = [], scalar_prefetch = 0 : i64, scratch_operands = 0 : i64, tpu.core_type = #tpu.core_type<tc>} {
    %get3A = arith.constant 0 : index
    %get3A_0 = arith.constant 0 : index
    %get3A_1 = vector.load %arg0[%get3A, %get3A_0] : memref<7816x128xf32, #tpu.memory_space<vmem>>, vector<7816x128xf32>
    %log3A = math.log %get3A_1 : vector<7816x128xf32>
    %swap3A = arith.constant 0 : index
    %swap3A_2 = arith.constant 0 : index
    %swap3A_3 = vector.load %arg1[%swap3A, %swap3A_2] : memref<7816x128xf32, #tpu.memory_space<vmem>>, vector<7816x128xf32>
    tpu.vector_store %arg1[%swap3A, %swap3A_2], %log3A {strides = array<i32>} : memref<7816x128xf32, #tpu.memory_space<vmem>>, vector<7816x128xf32>,
    return
  }
}

</mosaic_0001>

<sc_bundles>
// kernel: kernel.4.cloned.1.call-start
scs
__scs_entry_jumppad:
0x0: {  	(pc) =	sbr.rel $0x88, $3  }
0x1: {  	(tag) =	ssettag $0x0;
	lr =	simm.s32 $0x1  }
0x2: {  	[smem:$0x3F9F] =	sst lr;
	_ =	strace $0xD0000000  }
0x3: {  	_ = 	snop  }
0x4: {  	_ = 	snop  }
0x5: {  	_ = 	snop  }
0x6: {  	_ = 	snop  }
0x7: {  	_ = 	snop  }
__scs_overlays_trampoline_lowered:
0x8: {  	[smem:$0x3FAE] =	sst s0  }
0x9: {  	[smem:$0x3FAF] =	sst s1  }
0xa: {  	[smem:$0x3FB0] =	sst s2  }
0xb: {  	[smem:$0x3FB1] =	sst s3  }
0xc: {  	[smem:$0x3FB2] =	sst s4  }
0xd: {  	[smem:$0x3FB3] =	sst s5  }
0xe: {  	[smem:$0x3FB4] =	sst s6  }
0xf: {  	[smem:$0x3FB5] =	sst s7  }
0x10: {  	[smem:$0x3FB6] =	sst s8  }
0x11: {  	[smem:$0x3FB7] =	sst s9;
	s0 =	simm.s32 @!p0 $0x0  }
0x12: {  	s1 =	sld [smem:$0x3F9D];
	s0 =	simm.s32 @p0 $0x1  }
0x13: {  	[smem:$0x3FB8] =	sst s0;
	s0 =	simm.s32 @!p1 $0x0  }
0x14: {  	s2 =	sld [smem:$0x3F9C];
	s0 =	simm.s32 @p1 $0x1  }
0x15: {  	[smem:$0x3FB9] =	sst s0;
	s0 =	simm.s32 @!p2 $0x0  }
0x16: {  	s3 =	sld [smem:$0x3FDB];
	s0 =	simm.s32 @p2 $0x1  }
0x17: {  	s4 =	simm.s32 $0x1BF5;
	[smem:$0x3FBB] =	sst s0  }
0x18: {  	s0 =	sld [smem:$0x3F9E];
	_ =	swait.ge [sflag:s4], $0x0  }
0x19: {  	s7 =	sld [smem:$0x3F9F]  }
0x1a: {  	s8 =	sadd.s32 $0xFFFFE003, lr  }
0x1b: {  	s9 =	sadd.s32 $0xFFFFFEF7, lr;
	s5 =	simm.s32 $0xFFFFFFFF;
	p2 =	slt.u32 s8, $0xFFFFF086  }
0x1c: {  	p1 =	slt.u32 s9, $0xF7A;
	s5 =	simm.s32 @!p2 $0x0  }
0x1d: {  	s5 =	simm.s32 @p1 $0x1;
	p0 =	seq.s32 s7, s2  }
0x1e: {  	s7 =	smul.u32 @!p0 $0xF7A, s2;
	p2 =	seq.s32 @!p0 s5, $0x0  }
0x1f: {  	s9 =	smul.u32 $0xF7A, s1;
	s8 =	simm.s32 @!p0 $0x1BF5;
	p2 =	por !p2, p0  }
0x20: {  	[sflag:s8] =	ssyncset.s32 @!p0 $0xFFFFF086;
	s6 =	sadd.s32 @!p0 s3, s7;
	s7 =	simm.s32 @!p0 $0x108  }
0x21: {  	s3 =	sadd.s32 s3, s9;
	s6 =	sadd.s32 @!p0 $0x88, s6;
	s7 =	simm.s32 @p2 $0x1082  }
0x22: {  	[simem:s7], [sflag:s8] =	dma.local @!p0 [hbm:s6], $0xF7A  }
0x23: {  	s9 =	sor.u32 $0xD0000000, s2;
	s6 =	simm.s32 $0x108;
	_ =	swait.ge @!p0 [sflag:s8], $0x0  }
0x24: {  	s3 =	sadd.s32 $0x88, s3;
	s6 =	simm.s32 @!p1 $0x1082;
	[sflag:s4] =	ssyncset.s32 $0xFFFFF086  }
0x25: {  	[simem:s6], [sflag:s4] =	dma.local [hbm:s3], $0xF7A  }
0x26: {  	[smem:$0x3F9F] =	sst s1;
	(tag) =	ssettag s2;
	_ =	strace s9  }
0x27: {  	s1 =	sld [smem:$0x3FAF]  }
0x28: {  	s2 =	sld [smem:$0x3FB0]  }
0x29: {  	s4 =	sld [smem:$0x3FB2]  }
0x2a: {  	p0 =	seq.s32 s5, $0x0;
	s5 =	sld [smem:$0x3FB3]  }
0x2b: {  	s6 =	sld [smem:$0x3FB4]  }
0x2c: {  	s7 =	sld [smem:$0x3FB5]  }
0x2d: {  	s3 =	simm.s32 $0x108;
	s8 =	sld [smem:$0x3FB6]  }
0x2e: {  	s3 =	simm.s32 @!p0 $0x1082;
	s9 =	sld [smem:$0x3FB7]  }
0x2f: {  	lr =	sadd.s32 s0, s3;
	s0 =	sld [smem:$0x3FAE]  }
0x30: {  	s3 =	sld [smem:$0x3FB1]  }
0x31: {  	[smem:$0x3FBA] =	sst s10  }
0x32: {  	s10 =	sld [smem:$0x3FB8];
	_ =	sdelay $0x3  }
0x33: {  	p0 =	seq.s32 s10, $0x1;
	s10 =	sld [smem:$0x3FBA];
	_ =	sdelay $0x3  }
0x34: {  	[smem:$0x3FBA] =	sst s10  }
0x35: {  	s10 =	sld [smem:$0x3FB9];
	_ =	sdelay $0x3  }
0x36: {  	p1 =	seq.s32 s10, $0x1;
	s10 =	sld [smem:$0x3FBA];
	_ =	sdelay $0x3  }
0x37: {  	[smem:$0x3FBA] =	sst s10  }
0x38: {  	s10 =	sld [smem:$0x3FBB]  }
0x39: {  	_ = 	snop;
	(pc) =	sbr.ind lr, $3  }
0x3a: {  	_ = 	snop  }
0x3b: {  	_ = 	snop  }
0x3c: {  	p2 =	seq.s32 s10, $0x1;
	s10 =	sld [smem:$0x3FBA]  }
0x3d: {  	_ =	shalt  }
0x3e: {  	_ =	shalt  }
0x3f: {  	_ =	shalt  }
0x40: {  	_ =	shalt  }
0x41: {  	_ =	shalt  }
0x42: {  	_ =	shalt  }
0x43: {  	_ =	shalt  }
0x44: {  	_ =	shalt  }
0x45: {  	_ =	shalt  }
0x46: {  	_ =	shalt  }
0x47: {  	_ =	shalt  }
0x48: {  	_ =	shalt  }
0x49: {  	_ =	shalt  }
0x4a: {  	_ =	shalt  }
0x4b: {  	_ =	shalt  }
0x4c: {  	_ =	shalt  }
0x4d: {  	_ =	shalt  }
0x4e: {  	_ =	shalt  }
0x4f: {  	_ =	shalt  }
0x50: {  	_ =	shalt  }
0x51: {  	_ =	shalt  }
0x52: {  	_ =	shalt  }
0x53: {  	_ =	shalt  }
0x54: {  	_ =	shalt  }
0x55: {  	_ =	shalt  }
0x56: {  	_ =	shalt  }
0x57: {  	_ =	shalt  }
0x58: {  	_ =	shalt  }
0x59: {  	_ =	shalt  }
0x5a: {  	_ =	shalt  }
0x5b: {  	_ =	shalt  }
0x5c: {  	_ =	shalt  }
0x5d: {  	_ =	shalt  }
0x5e: {  	_ =	shalt  }
0x5f: {  	_ =	shalt  }
0x60: {  	_ =	shalt  }
0x61: {  	_ =	shalt  }
0x62: {  	_ =	shalt  }
0x63: {  	_ =	shalt  }
0x64: {  	_ =	shalt  }
0x65: {  	_ =	shalt  }
0x66: {  	_ =	shalt  }
0x67: {  	_ =	shalt  }
0x68: {  	_ =	shalt  }
0x69: {  	_ =	shalt  }
0x6a: {  	_ =	shalt  }
0x6b: {  	_ =	shalt  }
0x6c: {  	_ =	shalt  }
0x6d: {  	_ =	shalt  }
0x6e: {  	_ =	shalt  }
0x6f: {  	_ =	shalt  }
0x70: {  	_ =	shalt  }
0x71: {  	_ =	shalt  }
0x72: {  	_ =	shalt  }
0x73: {  	_ =	shalt  }
0x74: {  	_ =	shalt  }
0x75: {  	_ =	shalt  }
0x76: {  	_ =	shalt  }
0x77: {  	_ =	shalt  }
0x78: {  	_ =	shalt  }
0x79: {  	_ =	shalt  }
0x7a: {  	_ =	shalt  }
0x7b: {  	_ =	shalt  }
0x7c: {  	_ =	shalt  }
0x7d: {  	_ =	shalt  }
0x7e: {  	_ =	shalt  }
0x7f: {  	_ =	shalt  }
0x80: {  	_ =	shalt  }
0x81: {  	_ =	shalt  }
0x82: {  	_ =	shalt  }
0x83: {  	_ =	shalt  }
0x84: {  	_ =	shalt  }
0x85: {  	_ =	shalt  }
0x86: {  	_ =	shalt  }
0x87: {  	_ =	shalt  }
.Lfunc_end0:
.L_simem_size_0:
called_computation_lowered:
.L_overlay_start_0:
0x88: {  	s2 =	sld [smem:$0x3FD9]  }
0x89: {  	s3 =	sld [smem:$0x3FFE];
	_ =	sdelay $0x1  }
0x8a: {  	s1 =	srdreg.scid  }
0x8b: {  	s0 =	sand.u32 $0x1, s1  }
0x8c: {  	s17 =	sshll.u32 s0, $0xA;
	s2 =	sadd.s32 s3, s2  }
0x8d: {  	s2 =	sadd.s32 s2, s17  }
0x8e: {  	[smem:$0x3FC6] =	sst s2  }
0x8f: {  	_ = 	snop  }
0x90: {  	s2 =	sld [smem:$0x3FD0];
	(tm) =	ssettm $0x1  }
0x91: {  	s18 =	sld [smem:$0x3FFB];
	_ =	sdelay $0x3  }
0x92: {  	_ =	strace s18  }
0x93: {  	s3 =	sld [smem:$0x3FFC];
	_ =	sdelay $0x3  }
0x94: {  	_ =	strace s3  }
0x95: {  	s3 =	sld [smem:$0x3FFD];
	_ =	sdelay $0x3  }
0x96: {  	_ =	strace s3  }
0x97: {  	_ =	strace $0x8FFFFFFF  }
0x98: {  	s19 =	sld [smem:$0x3FDB];
	_ =	sdelay $0x1  }
0x99: {  	s4 =	simm.s32 $_scs_section_size  }
0x9a: {  	s5 =	simm.s32 $_size__tile_overlayer_lowered;
	s6 =	simm.s32 $_tile_overlayer_lowered  }
0x9b: {  	s22 =	simm.s32 $0x1BFF;
	s21 =	sshll.u32 s6, $0x1;
	s3 =	sadd.s32 s4, s19  }
0x9c: {  	s7 =	simm.s32 $0x0;
	s20 =	sshll.u32 s5, $0x1;
	s5 =	sadd.s32 s21, s3  }
0x9d: {  	[timem:s7], [sflag:s22] =	dma.local [hbm:s5], s20  }
0x9e: {  	_ =	swait.ge [sflag:s22], s20  }
0x9f: {  	s4 =	ssub.s32 $0x0, s20;
	[sflag:s22] =	ssyncset.done $0x0  }
0xa0: {  	[sflag:s22] =	ssyncadd.s32 s4;
	_ =	sdelay $0x1  }
0xa1: {  	s23 =	simm.s32 $0x1B8B  }
0xa2: {  	_ =	swait.ge [sflag:s23], $0x1  }
0xa3: {  	[sflag:s23] =	ssyncset.done $0x0  }
0xa4: {  	s25 =	simm.s32 $0x1B8E;
	s24 =	sld [smem:$0x3FFE];
	[sflag:s23] =	ssyncadd.s32 $0xFFFFFFFF  }
0xa5: {  	s26 =	simm.s32 $execute0_lowered;
	[smem:$0x3FD2] =	sst s25  }
0xa6: {  	s5 =	sshll.u32 s26, $0x1;
	_ =	strace $0x80000046;
	[dreg:$0x1] =	wrdreg $0xFFFFFFFF  }
0xa7: {  	s28 =	simm.s32 $_size_execute0_lowered;
	s3 =	sadd.s32 s3, s5;
	[dreg:$0x0] =	wrdreg $0x0  }
0xa8: {  	s5 =	sshll.u32 s28, $0x1;
	[dreg:$0x2] =	wrdreg s3  }
0xa9: {  	[dreg:$0x3] =	wrdreg s5  }
0xaa: {  	[dreg:$0x4] =	wrdreg $0xC0  }
0xab: {  	_ =	task [dreg:s7], $0x5FFFF  }
0xac: {  	[dreg:$0x1] =	wrdreg $0xFFFFFFFF  }
0xad: {  	[dreg:$0x0] =	wrdreg $0x60  }
0xae: {  	[dreg:$0x2] =	wrdreg s24  }
0xaf: {  	[dreg:$0x3] =	wrdreg s2  }
0xb0: {  	[dreg:$0x4] =	wrdreg $0xC8000  }
0xb1: {  	[dreg:$0x5] =	wrdreg $0x9  }
0xb2: {  	_ =	task.clear_ibuf [dreg:s7], $0x6FFFF;
	_ =	strace $0x90000046  }
0xb3: {  	s29 =	simm.s32 $0x9;
	_ =	strace $0x80000048  }
0xb4: {  	_ =	swait.ge [sflag:s29], $0x1  }
0xb5: {  	[sflag:s29] =	ssyncadd.s32 $0xFFFFFFFF  }
0xb6: {  	_ =	strace $0x90000048  }
0xb7: {  	_ =	sfence  }
0xb8: {  	s30 =	sld [smem:$0x0];
	_ =	sdelay $0x2  }
0xb9: {  	s31 =	sshll.u32 s1, $0xD;
	s1 =	sshrl.u32 s1, $0x2  }
0xba: {  	s3 =	sand.u32 $0x4000, s31;
	s1 =	sadd.s32 s1, s30  }
0xbb: {  	s0 =	sor.u32 s3, s0;
	s1 =	sshll.u32 s1, $0x11  }
0xbc: {  	s0 =	sor.u32 s1, s0  }
0xbd: {  	s0 =	sadd.s32 $0x8F2B, s0  }
0xbe: {  	[sflag:s0] =	ssyncadd.remote.s32 $0x1  }
0xbf: {  	_ =	sfence.sel $0xFFFF  }
0xc0: {  	[dreg:$0x0] =	wrdreg $0xFFFFFFFF;
	(pc) =	sbr.abs _section_cstart, $3  }
0xc1: {  	[dreg:$0x1] =	wrdreg $0xFFFFFFFF  }
0xc2: {  	_ =	task.clear_ibuf [dreg:s7], $0x2FFFF;
	_ =	strace $0x9FFFFFFF  }
0xc3: {  	(tm) =	ssettm $0x7FFFFFFF  }
tec
execute0_lowered:
.L_overlay_start_1:
0x0: {  	(tag) =	ssettag $0x1  }
0x1: {  	s3 =	rddreg [dreg:$0x0]  }
0x2: {  	s4 =	rddreg [dreg:$0x1];
	s0 =	srdreg.scid  }
0x3: {  	s6 =	stileid.u32;
	s2 =	rddreg [dreg:$0x2]  }
0x4: {  	s1 =	simm.s32 $0x0;
	s12 =	simm.s32 $0x1;
	p1 =	por $0x0, $0x0  }
0x5: {  	s5 =	sand.u32 $0x1, s0;
	s7 =	sshll.u32 s6, $0x1;
	s0 =	rddreg [dreg:$0x3]  }
0x6: {  	[smem:$0x7FF] =	sst s1;
	s24 =	sadd.s32 $0x800, s3;
	s7 =	sor.u32 s5, s7  }
0x7: {  	s3 =	sadd.s32 $0x1F200, s3;
	s5 =	ssub.s32 $0x2, s5;
	s7 =	smul.u32 $0x19000, s7  }
0x8: {  	p0 =	sne.s32 s6, $0x0;
	s6 =	simm.s32 $0x9600;
	s8 =	sshrl.u32 s5, $0x1  }
0x9: {  	_ =	strace $0x80000047;
	s8 =	ssub.s32 s5, s8;
	s7 =	sshrl.u32 s7, $0x3  }
0xa: {  	s28 =	sshrl.u32 @!p0 s2, $0x3;
	s8 =	smax.u32 s8, $0x1;
	s9 =	sadd.s32 $0x640, s7  }
0xb: {  	s25 =	sadd.s32 s4, s7;
	s22 =	sadd.s32 s3, s7;
	s18 =	sadd.s32 $0xC80, s7  }
0xc: {  	s10 =	sadd.s32 $0x12C0, s7;
	s26 =	sadd.s32 $0x1900, s7;
	s29 =	sadd.s32 $0x1F40, s7  }
0xd: {  	s31 =	sadd.s32 $0x2580, s7;
	s7 =	sadd.s32 $0x2BC0, s7;
	s30 =	sadd.s32 $0xFFFFFFFF, s8  }
0xe: {  	s8 =	simm.s32 $0x2;
	s23 =	sadd.s32 s4, s9;
	s21 =	sadd.s32 s4, s18  }
0xf: {  	s20 =	sadd.s32 s3, s9;
	s19 =	sadd.s32 s4, s10;
	p2 =	sne.s32 s30, $0x0  }
.Ltmp0:
0x10: {  	s18 =	sadd.s32 s3, s18;
	s17 =	sadd.s32 s4, s26;
	(pc) =	sbr.rel @!p2 .LBB2_5-.Ltmp0, $4  }
0x11: {  	s16 =	sadd.s32 s3, s10;
	s15 =	sadd.s32 s4, s29;
	s14 =	sadd.s32 s3, s26  }
0x12: {  	s13 =	sadd.s32 s4, s31;
	s11 =	sadd.s32 s3, s29;
	s9 =	sadd.s32 s4, s7  }
0x13: {  	s5 =	sadd.s32 s3, s31;
	s3 =	sadd.s32 s3, s7;
	s4 =	simm.s32 $0x3  }
0x14: {  	s10 =	simm.s32 $0x3200;
	s7 =	simm.s32 $0x6400;
	s26 =	simm.s32 @!p0 $0x3  }
0x15: {  	s29 =	simm.s32 @!p0 $0x1C03  }
0x16: {  	[spmem:s28], [sflag:s29] =	dma.local @!p0 [hbm:s24], $0x1E880  }
0x17: {  	_ =	swait.ge @!p0 [sflag:s26], $0x1E880  }
0x18: {  	[sflag:s26] =	ssyncset.done @!p0 $0x0  }
0x19: {  	[sflag:s26] =	ssyncadd.s32 @!p0 $0xFFFE1780  }
0x1a: {  	[bflag:$0x0] =	sbarrier.arrive $0xFFFF  }
0x1b: {  	[tilespmem:s1], [sflag:$0x3] =	stream.linear.gather [hbm4b:s25+s1], $0x3200, $0x38;
	[tilespmem:$0x1BC40] =	vst v63  }
0x1c: {  	_ =	swait.ge [sflag:s4], $0x3200  }
0x1d: {  	[sflag:s4] =	ssyncset.done $0x0  }
0x1e: {  	[sflag:s4] =	ssyncadd.s32 $0xFFFFCE00  }
0x1f: {  	[tilespmem:s7], [sflag:$0x1] =	stream.indirect.gather [spmem:s2], $0x1, s1, s10, $0xb8;
	[tilespmem:$0x1BC40] =	vst v63  }
0x20: {  	_ = 	snop  }
0x21: {  	[tilespmem:s10], [sflag:$0x3] =	stream.linear.gather [hbm4b:s23+s1], $0x3200, $0x38;
	[tilespmem:$0x1BC40] =	vst v63  }
0x22: {  	_ =	swait.ge [sflag:s4], $0x3200  }
0x23: {  	[sflag:s4] =	ssyncset.done $0x0  }
0x24: {  	[sflag:s4] =	ssyncadd.s32 $0xFFFFCE00  }
0x25: {  	[tilespmem:s6], [sflag:$0x2] =	stream.indirect.gather [spmem:s2], $0x1, s10, s10, $0xb8;
	[tilespmem:$0x1BC40] =	vst v63  }
0x26: {  	_ =	swait.ge [sflag:s12], $0x3200  }
0x27: {  	[sflag:s12] =	ssyncset.done $0x0  }
0x28: {  	[sflag:s12] =	ssyncadd.s32 $0xFFFFCE00  }
0x29: {  	[hbm4b:s22+s1] =	stream.linear.scatter [tilespmem:s7], [sflag:$0x3], $0x3200, $0x38;
	[tilespmem:$0x1BC40] =	vst v63  }
0x2a: {  	_ =	swait.ge [sflag:s4], $0x3200  }
0x2b: {  	[sflag:s4] =	ssyncset.done $0x0  }
0x2c: {  	[sflag:s4] =	ssyncadd.s32 $0xFFFFCE00  }
0x2d: {  	[tilespmem:s1], [sflag:$0x3] =	stream.linear.gather [hbm4b:s21+s1], $0x3200, $0x38;
	[tilespmem:$0x1BC40] =	vst v63  }
0x2e: {  	_ =	swait.ge [sflag:s4], $0x3200  }
0x2f: {  	[sflag:s4] =	ssyncset.done $0x0  }
0x30: {  	[sflag:s4] =	ssyncadd.s32 $0xFFFFCE00  }
0x31: {  	[tilespmem:s7], [sflag:$0x1] =	stream.indirect.gather [spmem:s2], $0x1, s1, s10, $0xb8;
	[tilespmem:$0x1BC40] =	vst v63  }
0x32: {  	_ =	swait.ge [sflag:s8], $0x3200  }
0x33: {  	[sflag:s8] =	ssyncset.done $0x0  }
0x34: {  	[sflag:s8] =	ssyncadd.s32 $0xFFFFCE00  }
0x35: {  	[hbm4b:s20+s1] =	stream.linear.scatter [tilespmem:s6], [sflag:$0x3], $0x3200, $0x38;
	[tilespmem:$0x1BC40] =	vst v63  }
0x36: {  	_ =	swait.ge [sflag:s4], $0x3200  }
0x37: {  	[sflag:s4] =	ssyncset.done $0x0  }
0x38: {  	[sflag:s4] =	ssyncadd.s32 $0xFFFFCE00  }
0x39: {  	[tilespmem:s10], [sflag:$0x3] =	stream.linear.gather [hbm4b:s19+s1], $0x3200, $0x38;
	[tilespmem:$0x1BC40] =	vst v63  }
0x3a: {  	_ =	swait.ge [sflag:s4], $0x3200  }
0x3b: {  	[sflag:s4] =	ssyncset.done $0x0  }
0x3c: {  	[sflag:s4] =	ssyncadd.s32 $0xFFFFCE00  }
0x3d: {  	[tilespmem:s6], [sflag:$0x2] =	stream.indirect.gather [spmem:s2], $0x1, s10, s10, $0xb8;
	[tilespmem:$0x1BC40] =	vst v63  }
0x3e: {  	_ =	swait.ge [sflag:s12], $0x3200  }
0x3f: {  	[sflag:s12] =	ssyncset.done $0x0  }
0x40: {  	[sflag:s12] =	ssyncadd.s32 $0xFFFFCE00  }
0x41: {  	[hbm4b:s18+s1] =	stream.linear.scatter [tilespmem:s7], [sflag:$0x3], $0x3200, $0x38;
	[tilespmem:$0x1BC40] =	vst v63  }
0x42: {  	_ =	swait.ge [sflag:s4], $0x3200  }
0x43: {  	[sflag:s4] =	ssyncset.done $0x0  }
0x44: {  	[sflag:s4] =	ssyncadd.s32 $0xFFFFCE00  }
0x45: {  	[tilespmem:s1], [sflag:$0x3] =	stream.linear.gather [hbm4b:s17+s1], $0x3200, $0x38;
	[tilespmem:$0x1BC40] =	vst v63  }
0x46: {  	_ =	swait.ge [sflag:s4], $0x3200  }
0x47: {  	[sflag:s4] =	ssyncset.done $0x0  }
0x48: {  	[sflag:s4] =	ssyncadd.s32 $0xFFFFCE00  }
0x49: {  	[tilespmem:s7], [sflag:$0x1] =	stream.indirect.gather [spmem:s2], $0x1, s1, s10, $0xb8;
	[tilespmem:$0x1BC40] =	vst v63  }
0x4a: {  	_ =	swait.ge [sflag:s8], $0x3200  }
0x4b: {  	[sflag:s8] =	ssyncset.done $0x0  }
0x4c: {  	[sflag:s8] =	ssyncadd.s32 $0xFFFFCE00  }
0x4d: {  	[hbm4b:s16+s1] =	stream.linear.scatter [tilespmem:s6], [sflag:$0x3], $0x3200, $0x38;
	[tilespmem:$0x1BC40] =	vst v63  }
0x4e: {  	_ =	swait.ge [sflag:s4], $0x3200  }
0x4f: {  	[sflag:s4] =	ssyncset.done $0x0  }
0x50: {  	[sflag:s4] =	ssyncadd.s32 $0xFFFFCE00  }
0x51: {  	[tilespmem:s10], [sflag:$0x3] =	stream.linear.gather [hbm4b:s15+s1], $0x3200, $0x38;
	[tilespmem:$0x1BC40] =	vst v63  }
0x52: {  	_ =	swait.ge [sflag:s4], $0x3200  }
0x53: {  	[sflag:s4] =	ssyncset.done $0x0  }
0x54: {  	[sflag:s4] =	ssyncadd.s32 $0xFFFFCE00  }
0x55: {  	[tilespmem:s6], [sflag:$0x2] =	stream.indirect.gather [spmem:s2], $0x1, s10, s10, $0xb8;
	[tilespmem:$0x1BC40] =	vst v63  }
0x56: {  	_ =	swait.ge [sflag:s12], $0x3200  }
0x57: {  	[sflag:s12] =	ssyncset.done $0x0  }
0x58: {  	[sflag:s12] =	ssyncadd.s32 $0xFFFFCE00  }
0x59: {  	[hbm4b:s14+s1] =	stream.linear.scatter [tilespmem:s7], [sflag:$0x3], $0x3200, $0x38;
	[tilespmem:$0x1BC40] =	vst v63  }
0x5a: {  	_ =	swait.ge [sflag:s4], $0x3200  }
0x5b: {  	[sflag:s4] =	ssyncset.done $0x0  }
0x5c: {  	[sflag:s4] =	ssyncadd.s32 $0xFFFFCE00  }
0x5d: {  	[tilespmem:s1], [sflag:$0x3] =	stream.linear.gather [hbm4b:s13+s1], $0x3200, $0x38;
	[tilespmem:$0x1BC40] =	vst v63  }
0x5e: {  	_ =	swait.ge [sflag:s4], $0x3200  }
0x5f: {  	[sflag:s4] =	ssyncset.done $0x0  }
0x60: {  	[sflag:s4] =	ssyncadd.s32 $0xFFFFCE00  }
0x61: {  	[tilespmem:s7], [sflag:$0x1] =	stream.indirect.gather [spmem:s2], $0x1, s1, s10, $0xb8;
	[tilespmem:$0x1BC40] =	vst v63  }
0x62: {  	_ =	swait.ge [sflag:s8], $0x3200  }
0x63: {  	[sflag:s8] =	ssyncset.done $0x0  }
0x64: {  	[sflag:s8] =	ssyncadd.s32 $0xFFFFCE00  }
0x65: {  	[hbm4b:s11+s1] =	stream.linear.scatter [tilespmem:s6], [sflag:$0x3], $0x3200, $0x38;
	[tilespmem:$0x1BC40] =	vst v63  }
0x66: {  	_ =	swait.ge [sflag:s4], $0x3200  }
0x67: {  	[sflag:s4] =	ssyncset.done $0x0  }
0x68: {  	[sflag:s4] =	ssyncadd.s32 $0xFFFFCE00  }
0x69: {  	[tilespmem:s10], [sflag:$0x3] =	stream.linear.gather [hbm4b:s9+s1], $0x3200, $0x38;
	[tilespmem:$0x1BC40] =	vst v63  }
0x6a: {  	_ =	swait.ge [sflag:s4], $0x3200  }
0x6b: {  	[sflag:s4] =	ssyncset.done $0x0  }
0x6c: {  	[sflag:s4] =	ssyncadd.s32 $0xFFFFCE00  }
0x6d: {  	[tilespmem:s6], [sflag:$0x2] =	stream.indirect.gather [spmem:s2], $0x1, s10, s10, $0xb8;
	[tilespmem:$0x1BC40] =	vst v63  }
0x6e: {  	_ =	swait.ge [sflag:s12], $0x3200  }
0x6f: {  	[sflag:s12] =	ssyncset.done $0x0  }
0x70: {  	[sflag:s12] =	ssyncadd.s32 $0xFFFFCE00  }
0x71: {  	[hbm4b:s5+s1] =	stream.linear.scatter [tilespmem:s7], [sflag:$0x3], $0x3200, $0x38;
	[tilespmem:$0x1BC40] =	vst v63  }
0x72: {  	_ =	swait.ge [sflag:s4], $0x3200  }
0x73: {  	[sflag:s4] =	ssyncset.done $0x0  }
0x74: {  	s30 =	sadd.s32 $0xFFFFFFFF, s30;
	[sflag:s4] =	ssyncadd.s32 $0xFFFFCE00  }
0x75: {  	p2 =	sne.s32 s30, $0x0;
	_ =	swait.ge [sflag:s8], $0x3200  }
.Ltmp1:
0x76: {  	[sflag:s8] =	ssyncset.done $0x0;
	(pc) =	sbr.rel @!p2 .LBB2_5-.Ltmp1, $4  }
0x77: {  	[sflag:s8] =	ssyncadd.s32 $0xFFFFCE00  }
0x78: {  	[hbm4b:s3+s1] =	stream.linear.scatter [tilespmem:s6], [sflag:$0x3], $0x3200, $0x38;
	[tilespmem:$0x1BC40] =	vst v63  }
0x79: {  	_ =	swait.ge [sflag:s4], $0x3200  }
0x7a: {  	p1 =	por $0x1, $0x1;
	[sflag:s4] =	ssyncset.done $0x0  }
0x7b: {  	s31 =	smov.u32 s28  }
.LBB2_3:
0x7c: {  	[sflag:s4] =	ssyncadd.s32 $0xFFFFCE00  }
0x7d: {  	[spmem:s31], [sflag:s29] =	dma.local @!p0 [hbm:s24], $0x1E880  }
0x7e: {  	s30 =	sadd.s32 $0xFFFFFFFF, s30;
	s31 =	smov.u32 s28;
	_ =	swait.ge @!p0 [sflag:s26], $0x1E880  }
0x7f: {  	p2 =	sne.s32 s30, $0x0;
	[sflag:s26] =	ssyncset.done @!p0 $0x0  }
0x80: {  	[sflag:s26] =	ssyncadd.s32 @!p0 $0xFFFE1780  }
0x81: {  	[bflag:$0x0] =	sbarrier.arrive $0xFFFF  }
0x82: {  	[tilespmem:s1], [sflag:$0x3] =	stream.linear.gather [hbm4b:s25+s1], $0x3200, $0x38;
	[tilespmem:$0x1BC40] =	vst v63  }
0x83: {  	_ =	swait.ge [sflag:s4], $0x3200  }
0x84: {  	[sflag:s4] =	ssyncset.done $0x0  }
0x85: {  	[sflag:s4] =	ssyncadd.s32 $0xFFFFCE00  }
0x86: {  	[tilespmem:s7], [sflag:$0x1] =	stream.indirect.gather [spmem:s2], $0x1, s1, s10, $0xb8;
	[tilespmem:$0x1BC40] =	vst v63  }
0x87: {  	_ = 	snop  }
0x88: {  	[tilespmem:s10], [sflag:$0x3] =	stream.linear.gather [hbm4b:s23+s1], $0x3200, $0x38;
	[tilespmem:$0x1BC40] =	vst v63  }
0x89: {  	_ =	swait.ge [sflag:s4], $0x3200  }
0x8a: {  	[sflag:s4] =	ssyncset.done $0x0  }
0x8b: {  	[sflag:s4] =	ssyncadd.s32 $0xFFFFCE00  }
0x8c: {  	[tilespmem:s6], [sflag:$0x2] =	stream.indirect.gather [spmem:s2], $0x1, s10, s10, $0xb8;
	[tilespmem:$0x1BC40] =	vst v63  }
0x8d: {  	_ =	swait.ge [sflag:s12], $0x3200  }
0x8e: {  	[sflag:s12] =	ssyncset.done $0x0  }
0x8f: {  	[sflag:s12] =	ssyncadd.s32 $0xFFFFCE00  }
0x90: {  	[hbm4b:s22+s1] =	stream.linear.scatter [tilespmem:s7], [sflag:$0x3], $0x3200, $0x38;
	[tilespmem:$0x1BC40] =	vst v63  }
0x91: {  	_ =	swait.ge [sflag:s4], $0x3200  }
0x92: {  	[sflag:s4] =	ssyncset.done $0x0  }
0x93: {  	[sflag:s4] =	ssyncadd.s32 $0xFFFFCE00  }
0x94: {  	[tilespmem:s1], [sflag:$0x3] =	stream.linear.gather [hbm4b:s21+s1], $0x3200, $0x38;
	[tilespmem:$0x1BC40] =	vst v63  }
0x95: {  	_ =	swait.ge [sflag:s4], $0x3200  }
0x96: {  	[sflag:s4] =	ssyncset.done $0x0  }
0x97: {  	[sflag:s4] =	ssyncadd.s32 $0xFFFFCE00  }
0x98: {  	[tilespmem:s7], [sflag:$0x1] =	stream.indirect.gather [spmem:s2], $0x1, s1, s10, $0xb8;
	[tilespmem:$0x1BC40] =	vst v63  }
0x99: {  	_ =	swait.ge [sflag:s8], $0x3200  }
0x9a: {  	[sflag:s8] =	ssyncset.done $0x0  }
0x9b: {  	[sflag:s8] =	ssyncadd.s32 $0xFFFFCE00  }
0x9c: {  	[hbm4b:s20+s1] =	stream.linear.scatter [tilespmem:s6], [sflag:$0x3], $0x3200, $0x38;
	[tilespmem:$0x1BC40] =	vst v63  }
0x9d: {  	_ =	swait.ge [sflag:s4], $0x3200  }
0x9e: {  	[sflag:s4] =	ssyncset.done $0x0  }
0x9f: {  	[sflag:s4] =	ssyncadd.s32 $0xFFFFCE00  }
0xa0: {  	[tilespmem:s10], [sflag:$0x3] =	stream.linear.gather [hbm4b:s19+s1], $0x3200, $0x38;
	[tilespmem:$0x1BC40] =	vst v63  }
0xa1: {  	_ =	swait.ge [sflag:s4], $0x3200  }
0xa2: {  	[sflag:s4] =	ssyncset.done $0x0  }
0xa3: {  	[sflag:s4] =	ssyncadd.s32 $0xFFFFCE00  }
0xa4: {  	[tilespmem:s6], [sflag:$0x2] =	stream.indirect.gather [spmem:s2], $0x1, s10, s10, $0xb8;
	[tilespmem:$0x1BC40] =	vst v63  }
0xa5: {  	_ =	swait.ge [sflag:s12], $0x3200  }
0xa6: {  	[sflag:s12] =	ssyncset.done $0x0  }
0xa7: {  	[sflag:s12] =	ssyncadd.s32 $0xFFFFCE00  }
0xa8: {  	[hbm4b:s18+s1] =	stream.linear.scatter [tilespmem:s7], [sflag:$0x3], $0x3200, $0x38;
	[tilespmem:$0x1BC40] =	vst v63  }
0xa9: {  	_ =	swait.ge [sflag:s4], $0x3200  }
0xaa: {  	[sflag:s4] =	ssyncset.done $0x0  }
0xab: {  	[sflag:s4] =	ssyncadd.s32 $0xFFFFCE00  }
0xac: {  	[tilespmem:s1], [sflag:$0x3] =	stream.linear.gather [hbm4b:s17+s1], $0x3200, $0x38;
	[tilespmem:$0x1BC40] =	vst v63  }
0xad: {  	_ =	swait.ge [sflag:s4], $0x3200  }
0xae: {  	[sflag:s4] =	ssyncset.done $0x0  }
0xaf: {  	[sflag:s4] =	ssyncadd.s32 $0xFFFFCE00  }
0xb0: {  	[tilespmem:s7], [sflag:$0x1] =	stream.indirect.gather [spmem:s2], $0x1, s1, s10, $0xb8;
	[tilespmem:$0x1BC40] =	vst v63  }
0xb1: {  	_ =	swait.ge [sflag:s8], $0x3200  }
0xb2: {  	[sflag:s8] =	ssyncset.done $0x0  }
0xb3: {  	[sflag:s8] =	ssyncadd.s32 $0xFFFFCE00  }
0xb4: {  	[hbm4b:s16+s1] =	stream.linear.scatter [tilespmem:s6], [sflag:$0x3], $0x3200, $0x38;
	[tilespmem:$0x1BC40] =	vst v63  }
0xb5: {  	_ =	swait.ge [sflag:s4], $0x3200  }
0xb6: {  	[sflag:s4] =	ssyncset.done $0x0  }
0xb7: {  	[sflag:s4] =	ssyncadd.s32 $0xFFFFCE00  }
0xb8: {  	[tilespmem:s10], [sflag:$0x3] =	stream.linear.gather [hbm4b:s15+s1], $0x3200, $0x38;
	[tilespmem:$0x1BC40] =	vst v63  }
0xb9: {  	_ =	swait.ge [sflag:s4], $0x3200  }
0xba: {  	[sflag:s4] =	ssyncset.done $0x0  }
0xbb: {  	[sflag:s4] =	ssyncadd.s32 $0xFFFFCE00  }
0xbc: {  	[tilespmem:s6], [sflag:$0x2] =	stream.indirect.gather [spmem:s2], $0x1, s10, s10, $0xb8;
	[tilespmem:$0x1BC40] =	vst v63  }
0xbd: {  	_ =	swait.ge [sflag:s12], $0x3200  }
0xbe: {  	[sflag:s12] =	ssyncset.done $0x0  }
0xbf: {  	[sflag:s12] =	ssyncadd.s32 $0xFFFFCE00  }
0xc0: {  	[hbm4b:s14+s1] =	stream.linear.scatter [tilespmem:s7], [sflag:$0x3], $0x3200, $0x38;
	[tilespmem:$0x1BC40] =	vst v63  }
0xc1: {  	_ =	swait.ge [sflag:s4], $0x3200  }
0xc2: {  	[sflag:s4] =	ssyncset.done $0x0  }
0xc3: {  	[sflag:s4] =	ssyncadd.s32 $0xFFFFCE00  }
0xc4: {  	[tilespmem:s1], [sflag:$0x3] =	stream.linear.gather [hbm4b:s13+s1], $0x3200, $0x38;
	[tilespmem:$0x1BC40] =	vst v63  }
0xc5: {  	_ =	swait.ge [sflag:s4], $0x3200  }
0xc6: {  	[sflag:s4] =	ssyncset.done $0x0  }
0xc7: {  	[sflag:s4] =	ssyncadd.s32 $0xFFFFCE00  }
0xc8: {  	[tilespmem:s7], [sflag:$0x1] =	stream.indirect.gather [spmem:s2], $0x1, s1, s10, $0xb8;
	[tilespmem:$0x1BC40] =	vst v63  }
0xc9: {  	_ =	swait.ge [sflag:s8], $0x3200  }
0xca: {  	[sflag:s8] =	ssyncset.done $0x0  }
0xcb: {  	[sflag:s8] =	ssyncadd.s32 $0xFFFFCE00  }
0xcc: {  	[hbm4b:s11+s1] =	stream.linear.scatter [tilespmem:s6], [sflag:$0x3], $0x3200, $0x38;
	[tilespmem:$0x1BC40] =	vst v63  }
0xcd: {  	_ =	swait.ge [sflag:s4], $0x3200  }
0xce: {  	[sflag:s4] =	ssyncset.done $0x0  }
0xcf: {  	[sflag:s4] =	ssyncadd.s32 $0xFFFFCE00  }
0xd0: {  	[tilespmem:s10], [sflag:$0x3] =	stream.linear.gather [hbm4b:s9+s1], $0x3200, $0x38;
	[tilespmem:$0x1BC40] =	vst v63  }
0xd1: {  	_ =	swait.ge [sflag:s4], $0x3200  }
0xd2: {  	[sflag:s4] =	ssyncset.done $0x0  }
0xd3: {  	[sflag:s4] =	ssyncadd.s32 $0xFFFFCE00  }
0xd4: {  	[tilespmem:s6], [sflag:$0x2] =	stream.indirect.gather [spmem:s2], $0x1, s10, s10, $0xb8;
	[tilespmem:$0x1BC40] =	vst v63  }
0xd5: {  	_ =	swait.ge [sflag:s12], $0x3200  }
0xd6: {  	[sflag:s12] =	ssyncset.done $0x0  }
0xd7: {  	[sflag:s12] =	ssyncadd.s32 $0xFFFFCE00  }
0xd8: {  	[hbm4b:s5+s1] =	stream.linear.scatter [tilespmem:s7], [sflag:$0x3], $0x3200, $0x38;
	[tilespmem:$0x1BC40] =	vst v63  }
0xd9: {  	_ =	swait.ge [sflag:s4], $0x3200  }
0xda: {  	[sflag:s4] =	ssyncset.done $0x0  }
0xdb: {  	[sflag:s4] =	ssyncadd.s32 $0xFFFFCE00  }
0xdc: {  	_ =	swait.ge [sflag:s8], $0x3200  }
.Ltmp2:
0xdd: {  	[sflag:s8] =	ssyncset.done $0x0;
	(pc) =	sbr.rel @p2 .LBB2_3-.Ltmp2, $4  }
0xde: {  	[sflag:s8] =	ssyncadd.s32 $0xFFFFCE00  }
0xdf: {  	[hbm4b:s3+s1] =	stream.linear.scatter [tilespmem:s6], [sflag:$0x3], $0x3200, $0x38;
	[tilespmem:$0x1BC40] =	vst v63  }
0xe0: {  	_ =	swait.ge [sflag:s4], $0x3200  }
0xe1: {  	[sflag:s4] =	ssyncset.done $0x0  }
0xe2: {  	s28 =	smov.u32 s31  }
.LBB2_5:
0xe3: {  	[sflag:s4] =	ssyncadd.s32 @p1 $0xFFFFCE00;
	s29 =	simm.s32 @!p0 $0x1C03  }
0xe4: {  	[spmem:s28], [sflag:s29] =	dma.local @!p0 [hbm:s24], $0x1E880  }
0xe5: {  	_ =	swait.ge @!p0 [sflag:s26], $0x1E880  }
0xe6: {  	[sflag:s26] =	ssyncset.done @!p0 $0x0  }
0xe7: {  	[sflag:s26] =	ssyncadd.s32 @!p0 $0xFFFE1780  }
0xe8: {  	[bflag:$0x0] =	sbarrier.arrive $0xFFFF  }
0xe9: {  	[tilespmem:s1], [sflag:$0x3] =	stream.linear.gather [hbm4b:s25+s1], $0x3200, $0x38;
	[tilespmem:$0x1BC40] =	vst v63  }
0xea: {  	_ =	swait.ge [sflag:s4], $0x3200  }
0xeb: {  	[sflag:s4] =	ssyncset.done $0x0  }
0xec: {  	[sflag:s4] =	ssyncadd.s32 $0xFFFFCE00  }
0xed: {  	[tilespmem:s7], [sflag:$0x1] =	stream.indirect.gather [spmem:s2], $0x1, s1, s10, $0xb8;
	[tilespmem:$0x1BC40] =	vst v63  }
0xee: {  	_ = 	snop  }
0xef: {  	[tilespmem:s10], [sflag:$0x3] =	stream.linear.gather [hbm4b:s23+s1], $0x3200, $0x38;
	[tilespmem:$0x1BC40] =	vst v63  }
0xf0: {  	_ =	swait.ge [sflag:s4], $0x3200  }
0xf1: {  	[sflag:s4] =	ssyncset.done $0x0  }
0xf2: {  	[sflag:s4] =	ssyncadd.s32 $0xFFFFCE00  }
0xf3: {  	[tilespmem:s6], [sflag:$0x2] =	stream.indirect.gather [spmem:s2], $0x1, s10, s10, $0xb8;
	[tilespmem:$0x1BC40] =	vst v63  }
0xf4: {  	_ =	swait.ge [sflag:s12], $0x3200  }
0xf5: {  	[sflag:s12] =	ssyncset.done $0x0  }
0xf6: {  	[sflag:s12] =	ssyncadd.s32 $0xFFFFCE00  }
0xf7: {  	[hbm4b:s22+s1] =	stream.linear.scatter [tilespmem:s7], [sflag:$0x3], $0x3200, $0x38;
	[tilespmem:$0x1BC40] =	vst v63  }
0xf8: {  	_ =	swait.ge [sflag:s4], $0x3200  }
0xf9: {  	[sflag:s4] =	ssyncset.done $0x0  }
0xfa: {  	[sflag:s4] =	ssyncadd.s32 $0xFFFFCE00  }
0xfb: {  	[tilespmem:s1], [sflag:$0x3] =	stream.linear.gather [hbm4b:s21+s1], $0x3200, $0x38;
	[tilespmem:$0x1BC40] =	vst v63  }
0xfc: {  	_ =	swait.ge [sflag:s4], $0x3200  }
0xfd: {  	[sflag:s4] =	ssyncset.done $0x0  }
0xfe: {  	[sflag:s4] =	ssyncadd.s32 $0xFFFFCE00  }
0xff: {  	[tilespmem:s7], [sflag:$0x1] =	stream.indirect.gather [spmem:s2], $0x1, s1, s10, $0xb8;
	[tilespmem:$0x1BC40] =	vst v63  }
0x100: {  	_ =	swait.ge [sflag:s8], $0x3200  }
0x101: {  	[sflag:s8] =	ssyncset.done $0x0  }
0x102: {  	[sflag:s8] =	ssyncadd.s32 $0xFFFFCE00  }
0x103: {  	[hbm4b:s20+s1] =	stream.linear.scatter [tilespmem:s6], [sflag:$0x3], $0x3200, $0x38;
	[tilespmem:$0x1BC40] =	vst v63  }
0x104: {  	_ =	swait.ge [sflag:s4], $0x3200  }
0x105: {  	[sflag:s4] =	ssyncset.done $0x0  }
0x106: {  	[sflag:s4] =	ssyncadd.s32 $0xFFFFCE00  }
0x107: {  	[tilespmem:s10], [sflag:$0x3] =	stream.linear.gather [hbm4b:s19+s1], $0x3200, $0x38;
	[tilespmem:$0x1BC40] =	vst v63  }
0x108: {  	_ =	swait.ge [sflag:s4], $0x3200  }
0x109: {  	[sflag:s4] =	ssyncset.done $0x0  }
0x10a: {  	[sflag:s4] =	ssyncadd.s32 $0xFFFFCE00  }
0x10b: {  	[tilespmem:s6], [sflag:$0x2] =	stream.indirect.gather [spmem:s2], $0x1, s10, s10, $0xb8;
	[tilespmem:$0x1BC40] =	vst v63  }
0x10c: {  	_ =	swait.ge [sflag:s12], $0x3200  }
0x10d: {  	[sflag:s12] =	ssyncset.done $0x0  }
0x10e: {  	[sflag:s12] =	ssyncadd.s32 $0xFFFFCE00  }
0x10f: {  	[hbm4b:s18+s1] =	stream.linear.scatter [tilespmem:s7], [sflag:$0x3], $0x3200, $0x38;
	[tilespmem:$0x1BC40] =	vst v63  }
0x110: {  	_ =	swait.ge [sflag:s4], $0x3200  }
0x111: {  	[sflag:s4] =	ssyncset.done $0x0  }
0x112: {  	[sflag:s4] =	ssyncadd.s32 $0xFFFFCE00  }
0x113: {  	[tilespmem:s1], [sflag:$0x3] =	stream.linear.gather [hbm4b:s17+s1], $0x3200, $0x38;
	[tilespmem:$0x1BC40] =	vst v63  }
0x114: {  	_ =	swait.ge [sflag:s4], $0x3200  }
0x115: {  	[sflag:s4] =	ssyncset.done $0x0  }
0x116: {  	[sflag:s4] =	ssyncadd.s32 $0xFFFFCE00  }
0x117: {  	[tilespmem:s7], [sflag:$0x1] =	stream.indirect.gather [spmem:s2], $0x1, s1, s10, $0xb8;
	[tilespmem:$0x1BC40] =	vst v63  }
0x118: {  	_ =	swait.ge [sflag:s8], $0x3200  }
0x119: {  	[sflag:s8] =	ssyncset.done $0x0  }
0x11a: {  	[sflag:s8] =	ssyncadd.s32 $0xFFFFCE00  }
0x11b: {  	[hbm4b:s16+s1] =	stream.linear.scatter [tilespmem:s6], [sflag:$0x3], $0x3200, $0x38;
	[tilespmem:$0x1BC40] =	vst v63  }
0x11c: {  	_ =	swait.ge [sflag:s4], $0x3200  }
0x11d: {  	[sflag:s4] =	ssyncset.done $0x0  }
0x11e: {  	[sflag:s4] =	ssyncadd.s32 $0xFFFFCE00  }
0x11f: {  	[tilespmem:s10], [sflag:$0x3] =	stream.linear.gather [hbm4b:s15+s1], $0x3200, $0x38;
	[tilespmem:$0x1BC40] =	vst v63  }
0x120: {  	_ =	swait.ge [sflag:s4], $0x3200  }
0x121: {  	[sflag:s4] =	ssyncset.done $0x0  }
0x122: {  	[sflag:s4] =	ssyncadd.s32 $0xFFFFCE00  }
0x123: {  	[tilespmem:s6], [sflag:$0x2] =	stream.indirect.gather [spmem:s2], $0x1, s10, s10, $0xb8;
	[tilespmem:$0x1BC40] =	vst v63  }
0x124: {  	_ =	swait.ge [sflag:s12], $0x3200  }
0x125: {  	[sflag:s12] =	ssyncset.done $0x0  }
0x126: {  	[sflag:s12] =	ssyncadd.s32 $0xFFFFCE00  }
0x127: {  	[hbm4b:s14+s1] =	stream.linear.scatter [tilespmem:s7], [sflag:$0x3], $0x3200, $0x38;
	[tilespmem:$0x1BC40] =	vst v63  }
0x128: {  	_ =	swait.ge [sflag:s4], $0x3200  }
0x129: {  	[sflag:s4] =	ssyncset.done $0x0  }
0x12a: {  	[sflag:s4] =	ssyncadd.s32 $0xFFFFCE00  }
0x12b: {  	[tilespmem:s1], [sflag:$0x3] =	stream.linear.gather [hbm4b:s13+s1], $0x3200, $0x38;
	[tilespmem:$0x1BC40] =	vst v63  }
0x12c: {  	_ =	swait.ge [sflag:s4], $0x3200  }
0x12d: {  	[sflag:s4] =	ssyncset.done $0x0  }
0x12e: {  	[sflag:s4] =	ssyncadd.s32 $0xFFFFCE00  }
0x12f: {  	[tilespmem:s7], [sflag:$0x1] =	stream.indirect.gather [spmem:s2], $0x1, s1, s10, $0xb8;
	[tilespmem:$0x1BC40] =	vst v63  }
0x130: {  	_ =	swait.ge [sflag:s8], $0x3200  }
0x131: {  	[sflag:s8] =	ssyncset.done $0x0  }
0x132: {  	[sflag:s8] =	ssyncadd.s32 $0xFFFFCE00  }
0x133: {  	[hbm4b:s11+s1] =	stream.linear.scatter [tilespmem:s6], [sflag:$0x3], $0x3200, $0x38;
	[tilespmem:$0x1BC40] =	vst v63  }
0x134: {  	_ =	swait.ge [sflag:s4], $0x3200  }
0x135: {  	[sflag:s4] =	ssyncset.done $0x0  }
0x136: {  	[sflag:s4] =	ssyncadd.s32 $0xFFFFCE00  }
0x137: {  	[tilespmem:s10], [sflag:$0x3] =	stream.linear.gather [hbm4b:s9+s1], $0x3200, $0x38;
	[tilespmem:$0x1BC40] =	vst v63  }
0x138: {  	_ =	swait.ge [sflag:s4], $0x3200  }
0x139: {  	[sflag:s4] =	ssyncset.done $0x0  }
0x13a: {  	[sflag:s4] =	ssyncadd.s32 $0xFFFFCE00  }
0x13b: {  	[tilespmem:s6], [sflag:$0x2] =	stream.indirect.gather [spmem:s2], $0x1, s10, s10, $0xb8;
	[tilespmem:$0x1BC40] =	vst v63  }
0x13c: {  	_ =	swait.ge [sflag:s12], $0x3200  }
0x13d: {  	[sflag:s12] =	ssyncset.done $0x0  }
0x13e: {  	[sflag:s12] =	ssyncadd.s32 $0xFFFFCE00  }
0x13f: {  	[hbm4b:s5+s1] =	stream.linear.scatter [tilespmem:s7], [sflag:$0x3], $0x3200, $0x38;
	[tilespmem:$0x1BC40] =	vst v63  }
0x140: {  	_ =	swait.ge [sflag:s4], $0x3200  }
0x141: {  	[sflag:s4] =	ssyncset.done $0x0  }
0x142: {  	[sflag:s4] =	ssyncadd.s32 $0xFFFFCE00  }
0x143: {  	_ =	swait.ge [sflag:s8], $0x3200  }
0x144: {  	[sflag:s8] =	ssyncset.done $0x0  }
0x145: {  	[sflag:s8] =	ssyncadd.s32 $0xFFFFCE00  }
0x146: {  	[hbm4b:s3+s1] =	stream.linear.scatter [tilespmem:s6], [sflag:$0x3], $0x3200, $0x38;
	[tilespmem:$0x1BC40] =	vst v63  }
0x147: {  	_ =	swait.ge [sflag:s4], $0x3200  }
0x148: {  	[sflag:s4] =	ssyncset.done $0x0  }
0x149: {  	[sflag:s4] =	ssyncadd.s32 $0xFFFFCE00  }
0x14a: {  	_ =	sfence.sel $0x180000  }
0x14b: {  	[bflag:$0x0] =	sbarrier.arrive $0xFFFF  }
0x14c: {  	_ =	strace $0x90000047  }
0x14d: {  	s0 =	sadd.s32 @!p0 $0x100000, s0;
	[bflag:$0x2] =	sbarrier.arrive $0xFFFF  }
0x14e: {  	[sflag:s0] =	ssyncadd.tile.s32 @!p0 $0x1;
	_ =	shalt  }
.Lfunc_end2:
_tile_overlayer_lowered:
.L_overlay_start_2:
0x14f: {  	(tag) =	ssettag $0x2  }
0x150: {  	s0 =	rddreg [dreg:$0x0];
	s2 =	stileid.u32  }
0x151: {  	s1 =	rddreg [dreg:$0x1];
	p0 =	sne.s32 s2, $0x0  }
0x152: {  	s3 =	rddreg [dreg:$0x2];
	[bflag:$0x3] =	sbarrier.arrive $0xFFFF;
	s2 =	simm.s32 @!p0 $0x1C03  }
0x153: {  	[timem:s3], [sflag:s2] =	dma.local @!p0 [hbm:s0], s1  }
0x154: {  	s0 =	simm.s32 @!p0 $0x3  }
0x155: {  	_ =	swait.ge @!p0 [sflag:s0], s1  }
0x156: {  	s1 =	ssub.s32 @!p0 $0x0, s1;
	[sflag:s0] =	ssyncset.done @!p0 $0x0  }
0x157: {  	[sflag:s0] =	ssyncadd.s32 @!p0 s1  }
0x158: {  	[bflag:$0x3] =	sbarrier.arrive $0xFFFF  }
0x159: {  	_ =	shalt  }

</sc_bundles>
